<compile_context>
chip_gen: v7x
topology: tpu7x:2x2x1
jax: 0.10.2.dev20260603
libtpu: 0.0.44.dev20260713+nightly
codegen_flags: <defaults>
</compile_context>

<pallas_src>
import functools

import jax
import jax.numpy as jnp
from jax import lax
from jax.experimental import pallas as pl
from jax.experimental.pallas import tpu as pltpu
from jax.experimental.pallas import tpu_sc as plsc

_LANES = 16


def _scal(x):
    return lax.squeeze(lax.slice(x, (0,), (1,)), dimensions=(0,))


def _dyn_gather(src, idx):
    return lax.gather(
        src,
        idx[:, None],
        lax.GatherDimensionNumbers(
            offset_dims=(), collapsed_slice_dims=(0,), start_index_map=(0,)
        ),
        slice_sizes=(1,),
        mode=lax.GatherScatterMode.PROMISE_IN_BOUNDS,
    )


def _tree_max(vs):
    while len(vs) > 1:
        nxt = [jnp.maximum(vs[i], vs[i + 1]) for i in range(0, len(vs) - 1, 2)]
        if len(vs) % 2:
            nxt.append(vs[-1])
        vs = nxt
    return vs[0]


def _make_topk16(B, N, chunk=32768, sub=16, nsub=16):
    info = plsc.get_sparse_core_info()
    nw = info.num_cores * info.num_subcores
    rows_per_w = B // nw
    chunks_per_row = N // chunk
    totch = rows_per_w * chunks_per_row
    sblk = sub * nsub * _LANES
    sblocks_per_chunk = chunk // sblk

    mesh = plsc.VectorSubcoreMesh(core_axis_name="c", subcore_axis_name="s")

    @functools.partial(
        pl.kernel,
        mesh=mesh,
        out_type=[
            jax.ShapeDtypeStruct((B, _LANES), jnp.float32),
            jax.ShapeDtypeStruct((B, _LANES), jnp.int32),
        ],
        compiler_params=pltpu.CompilerParams(needs_layout_passes=False),
        scratch_types=[
            pltpu.VMEM((2, chunk), jnp.float32),
            pltpu.VMEM((chunk // (sub * nsub * _LANES), _LANES), jnp.float32),
            pltpu.VMEM((rows_per_w, _LANES), jnp.float32),
            pltpu.VMEM((rows_per_w, _LANES), jnp.int32),
            pltpu.SemaphoreType.DMA((2,)),
        ],
    )
    def topk16(probs_hbm, outv_hbm, outi_hbm, buf, sumref, rv, ri, sem):
        wid = lax.axis_index("s") * info.num_cores + lax.axis_index("c")
        iota = lax.iota(jnp.int32, _LANES)
        shift_idx = jnp.maximum(iota - 1, 0)
        lane15 = jnp.full((_LANES,), _LANES - 1, jnp.int32)
        zero_f = jnp.zeros((_LANES,), jnp.float32)

        def insert_candidates(v, idxvec, CV, CI, Tv):
            I16 = _dyn_gather(CI, lane15)
            m = (v > Tv) | ((v == Tv) & (idxvec < I16))

            def wcond(st):
                return _scal(plsc.all_reduce_population_count(st[3])) > 0

            def wbody(st):
                CV, CI, Tv, m = st
                fv = plsc.all_reduce_ffs(m)
                x = _dyn_gather(v, fv)
                xi = _dyn_gather(idxvec, fv)
                p = plsc.all_reduce_population_count(
                    (CV > x) | ((CV == x) & (CI < xi))
                )
                sv = _dyn_gather(CV, shift_idx)
                si = _dyn_gather(CI, shift_idx)
                CVn = jnp.where(iota < p, CV, jnp.where(iota == p, x, sv))
                CIn = jnp.where(iota < p, CI, jnp.where(iota == p, xi, si))
                Tn = _dyn_gather(CVn, lane15)
                I16n = _dyn_gather(CIn, lane15)
                mn = (
                    m
                    & (iota != fv)
                    & ((v > Tn) | ((v == Tn) & (idxvec < I16n)))
                )
                return CVn, CIn, Tn, mn

            CV, CI, Tv, _ = lax.while_loop(wcond, wbody, (CV, CI, Tv, m))
            return CV, CI, Tv

        def dma(c, slot):
            row = wid * rows_per_w + c // chunks_per_row
            off = (c % chunks_per_row) * chunk
            return pltpu.make_async_copy(
                probs_hbm.at[row, pl.ds(off, chunk)], buf.at[slot], sem.at[slot]
            )

        dma(0, 0).start()

        def chunk_body(c, carry):
            CV, CI, Tv = carry
            slot = c % 2

            dma(c, slot).wait()

            rs = c % chunks_per_row == 0
            CV = jnp.where(rs, jnp.full((_LANES,), -1.0, jnp.float32), CV)
            CI = jnp.where(rs, jnp.zeros((_LANES,), jnp.int32), CI)
            Tv = jnp.where(rs, jnp.full((_LANES,), -1.0, jnp.float32), Tv)
            rowbase = (c % chunks_per_row) * chunk
            slotv = jnp.zeros((_LANES,), jnp.int32) + slot

            cn = jnp.minimum(c + 1, totch - 1)
            nrow = wid * rows_per_w + cn // chunks_per_row
            noff = (cn % chunks_per_row) * chunk
            piece = chunk // (sblocks_per_chunk * (nsub // 4))

            def group_body(g, S):
                for j in range(4):
                    base = g * (4 * sub * _LANES) + j * (sub * _LANES)
                    vs = [
                        buf[slot, pl.ds(base + u * _LANES, _LANES)]
                        for u in range(sub)
                    ]
                    acc = _tree_max(vs)
                    cum = plsc.cummax(acc)
                    bk = _dyn_gather(cum, lane15)
                    S = jnp.where(iota == (g * 4 + j) % nsub, bk, S)
                pltpu.make_async_copy(
                    probs_hbm.at[nrow, pl.ds(noff + g * piece, piece)],
                    buf.at[1 - slot, pl.ds(g * piece, piece)],
                    sem.at[1 - slot],
                ).start()
                sumref[g // 4] = S
                return S

            lax.fori_loop(
                0, sblocks_per_chunk * (nsub // 4), group_body, zero_f
            )

            def sblock_body(sb, carry2):
                CV, CI, Tv = carry2
                sbb = sb * sblk
                S = sumref[sb]
                hit = _scal(plsc.all_reduce_population_count(S >= Tv))

                def rescan(carry3):
                    CV, CI, Tv = carry3
                    m = S >= Tv

                    def sub_cond(st):
                        return _scal(plsc.all_reduce_population_count(st[3])) > 0

                    def sub_body(st):
                        CV, CI, Tv, m = st
                        lv = plsc.all_reduce_ffs(m)
                        ls = _scal(lv)
                        base = sbb + ls * (sub * _LANES)
                        vs = [
                            buf[slot, pl.ds(base + u * _LANES, _LANES)]
                            for u in range(sub)
                        ]
                        acc = _tree_max(vs)
                        m2 = acc >= Tv

                        def lane_cond(st2):
                            return _scal(plsc.all_reduce_population_count(st2[3])) > 0

                        def lane_body(st2):
                            CV, CI, Tv, m2 = st2
                            qv = plsc.all_reduce_ffs(m2)
                            colidx = base + qv + iota * _LANES
                            col = plsc.load_gather(buf, [slotv, colidx])
                            CV, CI, Tv = insert_candidates(
                                col, rowbase + colidx, CV, CI, Tv
                            )
                            m2 = m2 & (iota != qv) & (acc >= Tv)
                            return CV, CI, Tv, m2

                        CV, CI, Tv, _ = lax.while_loop(
                            lane_cond, lane_body, (CV, CI, Tv, m2)
                        )
                        m = m & (iota != lv) & (S >= Tv)
                        return CV, CI, Tv, m

                    CV, CI, Tv, _ = lax.while_loop(
                        sub_cond, sub_body, (CV, CI, Tv, m)
                    )
                    return CV, CI, Tv

                return lax.cond(hit > 0, rescan, lambda a: a, (CV, CI, Tv))

            CV, CI, Tv = lax.fori_loop(0, sblocks_per_chunk, sblock_body, (CV, CI, Tv))

            @pl.when(c % chunks_per_row == chunks_per_row - 1)
            def _(CV=CV, CI=CI):
                r = c // chunks_per_row
                rv[r] = CV
                ri[r] = CI

            return CV, CI, Tv

        lax.fori_loop(
            0,
            totch,
            chunk_body,
            (
                jnp.full((_LANES,), -1.0, jnp.float32),
                jnp.zeros((_LANES,), jnp.int32),
                jnp.full((_LANES,), -1.0, jnp.float32),
            ),
        )

        dma(totch - 1, (totch % 2)).wait()

        out_off = pl.multiple_of(wid * rows_per_w, rows_per_w)
        pltpu.sync_copy(rv, outv_hbm.at[pl.ds(out_off, rows_per_w)])
        pltpu.sync_copy(ri, outi_hbm.at[pl.ds(out_off, rows_per_w)])

    return topk16


def _span_f1(ps, pe, gs, ge):
    ps_f = ps.astype(jnp.float32)
    pe_f = pe.astype(jnp.float32)
    gs_f = gs.astype(jnp.float32)
    ge_f = ge.astype(jnp.float32)
    inter = jnp.maximum(0.0, jnp.minimum(pe_f, ge_f) - jnp.maximum(ps_f, gs_f) + 1.0)
    pred_len = jnp.maximum(pe_f - ps_f + 1.0, 1.0)
    gold_len = jnp.maximum(ge_f - gs_f + 1.0, 1.0)
    prec = inter / pred_len
    rec = inter / gold_len
    f1 = 2.0 * prec * rec / jnp.maximum(prec + rec, 1e-8)
    return jnp.where(ps <= pe, f1, 0.0).astype(jnp.float32)


def kernel(probs, start, end, context_len):
    B, N = probs.shape
    topk16 = _make_topk16(B, N)
    cv, ci = topk16(probs)

    K = 10
    kbest_probs = cv[:, :K]
    kbest = ci[:, :K]
    greedy_idx = ci[:, 0]
    greedy_reward = _span_f1(
        greedy_idx // context_len, greedy_idx % context_len, start, end
    )
    skey = jax.random.key(42)
    indice = jax.random.categorical(skey, jnp.log(kbest_probs + 1e-20), axis=1)
    sample_idx = jnp.take_along_axis(kbest, indice[:, None], axis=1).squeeze(1)
    sample_reward = _span_f1(
        sample_idx // context_len, sample_idx % context_len, start, end
    )
    greedy_better = jnp.clip(greedy_reward - sample_reward, 0.0, 1.0e7)
    sample_better = jnp.clip(sample_reward, 0.0, 1.0e7)
    greedy_loss = -cv[:, 0]
    sample_loss = -jnp.take_along_axis(kbest_probs, indice[:, None], axis=1).squeeze(1)
    total_loss = greedy_better * greedy_loss + sample_better * sample_loss
    return jnp.mean(total_loss)

# --- scband reference (transcript-rebuilt; emitter-appended) ---
"""Pipeline reference for scband-dcrlloss-34703335751862 (READ-ONLY COPY).

The authoritative reference and input builder live on the scoring server;
editing this copy changes nothing except your own understanding.
"""

import jax, jax.numpy as jnp
import numpy as np

K = 10

def _span_reward(ps, pe, gs, ge):
    # Numeric surrogate for the RRRouge string reward: span-overlap F1 between
    # predicted span [ps, pe] and gold span [gs, ge]; 0 reward if ps > pe
    # (the 'NO-ANSWER-FOUND' branch in the original code).
    ps_f = ps.astype(jnp.float32); pe_f = pe.astype(jnp.float32)
    gs_f = gs.astype(jnp.float32); ge_f = ge.astype(jnp.float32)
    inter = jnp.maximum(0.0, jnp.minimum(pe_f, ge_f) - jnp.maximum(ps_f, gs_f) + 1.0)
    pred_len = jnp.maximum(pe_f - ps_f + 1.0, 1.0)
    gold_len = jnp.maximum(ge_f - gs_f + 1.0, 1.0)
    prec = inter / pred_len
    rec = inter / gold_len
    f1 = 2.0 * prec * rec / jnp.maximum(prec + rec, 1e-8)
    return jnp.where(ps <= pe, f1, 0.0).astype(jnp.float32)

def setup_inputs(seed: int = 0):
    key = jax.random.key(seed)
    k1, k2, k3 = jax.random.split(key, 3)
    B = 128
    L = 512
    probs = jax.random.uniform(k1, (B, L * L), dtype=jnp.float32)
    start = jax.random.randint(k2, (B,), 0, L)
    end = jnp.minimum(start + jax.random.randint(k3, (B,), 0, 30), L - 1)
    return {"probs": probs, "start": start, "end": end, "context_len": L}

def reference(probs, start, end, context_len):
    max_idx = jnp.argmax(probs, axis=1)
    greedy_start = max_idx // context_len
    greedy_end = max_idx % context_len
    greedy_reward = _span_reward(greedy_start, greedy_end, start, end)
    kbest_probs, kbest = jax.lax.top_k(probs, K)
    skey = jax.random.key(42)
    # torch.multinomial(kbest_probs, 1) -> categorical over top-k weights
    indice = jax.random.categorical(skey, jnp.log(kbest_probs + 1e-20), axis=1)
    sample_max_idx = jnp.take_along_axis(kbest, indice[:, None], axis=1).squeeze(1)
    sample_start = sample_max_idx // context_len
    sample_end = sample_max_idx % context_len
    sample_reward = _span_reward(sample_start, sample_end, start, end)
    greedy_better = jnp.clip(greedy_reward - sample_reward, 0.0, 1.0e7)
    # NOTE: faithful to the original code's bug: clamps sample_reward itself.
    sample_better = jnp.clip(sample_reward, 0.0, 1.0e7)
    greedy_tgt = greedy_start * context_len + greedy_end
    sample_tgt = sample_start * context_len + sample_end
    # nn.NLLLoss(reduction='none'): loss_i = -input[i, target_i]
    greedy_loss = -jnp.take_along_axis(probs, greedy_tgt[:, None], axis=1).squeeze(1)
    sample_loss = -jnp.take_along_axis(probs, sample_tgt[:, None], axis=1).squeeze(1)
    total_loss = greedy_better * greedy_loss + sample_better * sample_loss
    return jnp.mean(total_loss)

if __name__ == "__main__":
    import jax
    _d = setup_inputs()
    print(jax.jit(kernel)(*tuple(_d.values())))

</pallas_src>

<mosaic_0001>
#map = affine_map<(d0, d1) -> (0, 0)>
module attributes {stable_mosaic.version = 14 : i64} {
  func.func @topk16(%arg0: i32, %arg1: i32, %arg2: memref<128x262144xf32, #tpu.memory_space<hbm>>, %arg3: memref<128x16xf32, #tpu.memory_space<hbm>>, %arg4: memref<128x16xi32, #tpu.memory_space<hbm>>, %arg5: memref<2x32768xf32, #tpu.memory_space<vmem>>, %arg6: memref<8x16xf32, #tpu.memory_space<vmem>>, %arg7: memref<4x16xf32, #tpu.memory_space<vmem>>, %arg8: memref<4x16xi32, #tpu.memory_space<vmem>>, %arg9: memref<2x!tpu.dma_semaphore, #tpu.memory_space<semaphore_mem>>) attributes {dimension_semantics = [#tpu.dimension_semantics<core_parallel>, #tpu.dimension_semantics<subcore_parallel>], iteration_bounds = array<i64: 2, 16>, scalar_prefetch = 0 : i64, scratch_operands = 5 : i64, tpu.core_type = #tpu.core_type<sc_vector_subcore>, window_params = [{transform_indices = #map}, {transform_indices = #map}, {transform_indices = #map}]} {
    %mul3A = arith.constant 2 : i32
    %mul3A_0 = arith.muli %arg1, %mul3A : i32
    %add3A = arith.addi %mul3A_0, %arg0 : i32
    %iota3A = tpu.iota {dimensions = array<i32: 0>} : vector<16xi32>
    %sub3A = arith.constant 1 : i32
    %sub3A_1 = vector.broadcast %sub3A : i32 to vector<16xi32>
    %sub3A_2 = arith.subi %iota3A, %sub3A_1 : vector<16xi32>
    %max3A = arith.constant 0 : i32
    %max3A_3 = vector.broadcast %max3A : i32 to vector<16xi32>
    %max3A_4 = arith.maxsi %sub3A_2, %max3A_3 : vector<16xi32>
    %broadcast_in_dim3A = arith.constant 15 : i32
    %broadcast_in_dim3A_5 = vector.broadcast %broadcast_in_dim3A : i32 to vector<16xi32>
    %broadcast_in_dim3A_6 = arith.constant 0.000000e+00 : f32
    %broadcast_in_dim3A_7 = vector.broadcast %broadcast_in_dim3A_6 : f32 to vector<16xf32>
    %mul3A_8 = arith.constant 4 : i32
    %mul3A_9 = arith.muli %add3A, %mul3A_8 : i32
    %add3A_10 = arith.constant 0 : i32
    %add3A_11 = arith.addi %mul3A_9, %add3A_10 : i32
    %dma_start3A = arith.constant 0 : i32
    %dma_start3A_12 = arith.constant 0 : i32
    %dma_start3A_13 = arith.constant 0 : i32
    %dma_start3A_14 = tpu.memref_slice %arg5[%dma_start3A, %dma_start3A_13] : memref<2x32768xf32, #tpu.memory_space<vmem>> -> memref<1x32768xf32, #tpu.memory_space<vmem>>
    %dma_start3A_15 = tpu.memref_squeeze %dma_start3A_14 : memref<1x32768xf32, #tpu.memory_space<vmem>> -> memref<32768xf32, #tpu.memory_space<vmem>>
    %dma_start3A_16 = arith.constant 0 : i32
    %dma_start3A_17 = tpu.memref_slice %arg2[%add3A_11, %dma_start3A_16] : memref<128x262144xf32, #tpu.memory_space<hbm>> -> memref<1x32768xf32, #tpu.memory_space<hbm>>
    %dma_start3A_18 = tpu.memref_squeeze %dma_start3A_17 : memref<1x32768xf32, #tpu.memory_space<hbm>> -> memref<32768xf32, #tpu.memory_space<hbm>>
    %dma_start3A_19 = tpu.memref_slice %arg9[%dma_start3A_12] : memref<2x!tpu.dma_semaphore, #tpu.memory_space<semaphore_mem>> -> memref<1x!tpu.dma_semaphore, #tpu.memory_space<semaphore_mem>>
    %dma_start3A_20 = tpu.memref_squeeze %dma_start3A_19 : memref<1x!tpu.dma_semaphore, #tpu.memory_space<semaphore_mem>> -> memref<!tpu.dma_semaphore, #tpu.memory_space<semaphore_mem>>
    %dma_start3A_21 = arith.constant 0 : i32
    %dma_start3A_22 = tpu.memref_slice %arg5[%dma_start3A, %dma_start3A_21] : memref<2x32768xf32, #tpu.memory_space<vmem>> -> memref<1x32768xf32, #tpu.memory_space<vmem>>
    %dma_start3A_23 = tpu.memref_squeeze %dma_start3A_22 : memref<1x32768xf32, #tpu.memory_space<vmem>> -> memref<32768xf32, #tpu.memory_space<vmem>>
    %dma_start3A_24 = arith.constant 0 : i32
    %dma_start3A_25 = tpu.memref_slice %arg2[%add3A_11, %dma_start3A_24] : memref<128x262144xf32, #tpu.memory_space<hbm>> -> memref<1x32768xf32, #tpu.memory_space<hbm>>
    %dma_start3A_26 = tpu.memref_squeeze %dma_start3A_25 : memref<1x32768xf32, #tpu.memory_space<hbm>> -> memref<32768xf32, #tpu.memory_space<hbm>>
    tpu.enqueue_dma source(%dma_start3A_26 : memref<32768xf32, #tpu.memory_space<hbm>>) target(%dma_start3A_23 : memref<32768xf32, #tpu.memory_space<vmem>>) target_semaphore(%dma_start3A_20 : memref<!tpu.dma_semaphore, #tpu.memory_space<semaphore_mem>>)
    %broadcast_in_dim3A_27 = arith.constant -1.000000e+00 : f32
    %broadcast_in_dim3A_28 = vector.broadcast %broadcast_in_dim3A_27 : f32 to vector<16xf32>
    %broadcast_in_dim3A_29 = arith.constant 0 : i32
    %broadcast_in_dim3A_30 = vector.broadcast %broadcast_in_dim3A_29 : i32 to vector<16xi32>
    %broadcast_in_dim3A_31 = arith.constant -1.000000e+00 : f32
    %broadcast_in_dim3A_32 = vector.broadcast %broadcast_in_dim3A_31 : f32 to vector<16xf32>
    %scan3A = arith.constant 0 : i32
    %scan3A_33 = arith.constant 32 : i32
    %scan3A_34 = arith.addi %scan3A, %scan3A_33 : i32
    %scan3A_35 = arith.constant 1 : i32
    %scan3A_36:3 = scf.for %scan3A_59 = %scan3A to %scan3A_34 step %scan3A_35 iter_args(%scan3A_60 = %broadcast_in_dim3A_28, %scan3A_61 = %broadcast_in_dim3A_30, %scan3A_62 = %broadcast_in_dim3A_32) -> (vector<16xf32>, vector<16xi32>, vector<16xf32>)  : i32 {
      %jit3A = arith.constant 2 : i32
      %eq3A = arith.constant 0 : i32
      %eq3A_63 = arith.cmpi eq, %jit3A, %eq3A : i32
      %jit3A_64 = arith.constant 1 : i32
      %select_n3A = arith.select %eq3A_63, %jit3A_64, %jit3A : i32
      %rem3A = arith.remsi %scan3A_59, %select_n3A : i32
      %ne3A = arith.constant 0 : i32
      %ne3A_65 = arith.cmpi ne, %rem3A, %ne3A : i32
      %lt3A = arith.constant 0 : i32
      %lt3A_66 = arith.cmpi slt, %rem3A, %lt3A : i32
      %lt3A_67 = arith.constant 0 : i32
      %lt3A_68 = arith.cmpi slt, %select_n3A, %lt3A_67 : i32
      %ne3A_69 = arith.xori %lt3A_66, %lt3A_68 : i1
      %and3A = arith.andi %ne3A_69, %ne3A_65 : i1
      %add3A_70 = arith.addi %rem3A, %select_n3A : i32
      %select_n3A_71 = arith.select %and3A, %add3A_70, %rem3A : i32
      %mul3A_72 = arith.constant 4 : i32
      %mul3A_73 = arith.muli %add3A, %mul3A_72 : i32
      %jit3A_74 = arith.constant 8 : i32
      %div3A = arith.divsi %scan3A_59, %jit3A_74 : i32
      %sign3A = arith.constant 0 : i32
      %sign3A_75 = arith.cmpi sgt, %scan3A_59, %sign3A : i32
      %sign3A_76 = arith.extui %sign3A_75 : i1 to i32
      %sign3A_77 = arith.constant 0 : i32
      %sign3A_78 = arith.cmpi slt, %scan3A_59, %sign3A_77 : i32
      %sign3A_79 = arith.extui %sign3A_78 : i1 to i32
      %sign3A_80 = arith.subi %sign3A_76, %sign3A_79 : i32
      %sign3A_81 = arith.constant 0 : i32
      %sign3A_82 = arith.cmpi sgt, %jit3A_74, %sign3A_81 : i32
      %sign3A_83 = arith.extui %sign3A_82 : i1 to i32
      %sign3A_84 = arith.constant 0 : i32
      %sign3A_85 = arith.cmpi slt, %jit3A_74, %sign3A_84 : i32
      %sign3A_86 = arith.extui %sign3A_85 : i1 to i32
      %sign3A_87 = arith.subi %sign3A_83, %sign3A_86 : i32
      %ne3A_88 = arith.cmpi ne, %sign3A_80, %sign3A_87 : i32
      %rem3A_89 = arith.remsi %scan3A_59, %jit3A_74 : i32
      %ne3A_90 = arith.constant 0 : i32
      %ne3A_91 = arith.cmpi ne, %rem3A_89, %ne3A_90 : i32
      %and3A_92 = arith.andi %ne3A_88, %ne3A_91 : i1
      %sub3A_93 = arith.constant 1 : i32
      %sub3A_94 = arith.subi %div3A, %sub3A_93 : i32
      %select_n3A_95 = arith.select %and3A_92, %sub3A_94, %div3A : i32
      %add3A_96 = arith.addi %mul3A_73, %select_n3A_95 : i32
      %jit3A_97 = arith.constant 8 : i32
      %eq3A_98 = arith.constant 0 : i32
      %eq3A_99 = arith.cmpi eq, %jit3A_97, %eq3A_98 : i32
      %jit3A_100 = arith.constant 1 : i32
      %select_n3A_101 = arith.select %eq3A_99, %jit3A_100, %jit3A_97 : i32
      %rem3A_102 = arith.remsi %scan3A_59, %select_n3A_101 : i32
      %ne3A_103 = arith.constant 0 : i32
      %ne3A_104 = arith.cmpi ne, %rem3A_102, %ne3A_103 : i32
      %lt3A_105 = arith.constant 0 : i32
      %lt3A_106 = arith.cmpi slt, %rem3A_102, %lt3A_105 : i32
      %lt3A_107 = arith.constant 0 : i32
      %lt3A_108 = arith.cmpi slt, %select_n3A_101, %lt3A_107 : i32
      %ne3A_109 = arith.xori %lt3A_106, %lt3A_108 : i1
      %and3A_110 = arith.andi %ne3A_109, %ne3A_104 : i1
      %add3A_111 = arith.addi %rem3A_102, %select_n3A_101 : i32
      %select_n3A_112 = arith.select %and3A_110, %add3A_111, %rem3A_102 : i32
      %mul3A_113 = arith.constant 32768 : i32
      %mul3A_114 = arith.muli %select_n3A_112, %mul3A_113 : i32
      %dma_wait3A_115 = arith.constant 0 : i32
      %dma_wait3A_116 = tpu.memref_slice %arg5[%select_n3A_71, %dma_wait3A_115] : memref<2x32768xf32, #tpu.memory_space<vmem>> -> memref<1x32768xf32, #tpu.memory_space<vmem>>
      %dma_wait3A_117 = tpu.memref_squeeze %dma_wait3A_116 : memref<1x32768xf32, #tpu.memory_space<vmem>> -> memref<32768xf32, #tpu.memory_space<vmem>>
      %dma_wait3A_118 = tpu.memref_slice %arg2[%add3A_96, %mul3A_114] : memref<128x262144xf32, #tpu.memory_space<hbm>> -> memref<1x32768xf32, #tpu.memory_space<hbm>>
      %dma_wait3A_119 = tpu.memref_squeeze %dma_wait3A_118 : memref<1x32768xf32, #tpu.memory_space<hbm>> -> memref<32768xf32, #tpu.memory_space<hbm>>
      %dma_wait3A_120 = tpu.memref_slice %arg9[%select_n3A_71] : memref<2x!tpu.dma_semaphore, #tpu.memory_space<semaphore_mem>> -> memref<1x!tpu.dma_semaphore, #tpu.memory_space<semaphore_mem>>
      %dma_wait3A_121 = tpu.memref_squeeze %dma_wait3A_120 : memref<1x!tpu.dma_semaphore, #tpu.memory_space<semaphore_mem>> -> memref<!tpu.dma_semaphore, #tpu.memory_space<semaphore_mem>>
      %dma_wait3A_122 = arith.constant 0 : i32
      %dma_wait3A_123 = tpu.memref_slice %arg5[%select_n3A_71, %dma_wait3A_122] : memref<2x32768xf32, #tpu.memory_space<vmem>> -> memref<1x32768xf32, #tpu.memory_space<vmem>>
      %dma_wait3A_124 = tpu.memref_squeeze %dma_wait3A_123 : memref<1x32768xf32, #tpu.memory_space<vmem>> -> memref<32768xf32, #tpu.memory_space<vmem>>
      %dma_wait3A_125 = tpu.memref_slice %arg2[%add3A_96, %mul3A_114] : memref<128x262144xf32, #tpu.memory_space<hbm>> -> memref<1x32768xf32, #tpu.memory_space<hbm>>
      %dma_wait3A_126 = tpu.memref_squeeze %dma_wait3A_125 : memref<1x32768xf32, #tpu.memory_space<hbm>> -> memref<32768xf32, #tpu.memory_space<hbm>>
      tpu.wait_dma2 semaphore(%dma_wait3A_121 : memref<!tpu.dma_semaphore, #tpu.memory_space<semaphore_mem>>) src(%dma_wait3A_126 : memref<32768xf32, #tpu.memory_space<hbm>>) dst(%dma_wait3A_124 : memref<32768xf32, #tpu.memory_space<vmem>>)
      %jit3A_127 = arith.constant 8 : i32
      %eq3A_128 = arith.constant 0 : i32
      %eq3A_129 = arith.cmpi eq, %jit3A_127, %eq3A_128 : i32
      %jit3A_130 = arith.constant 1 : i32
      %select_n3A_131 = arith.select %eq3A_129, %jit3A_130, %jit3A_127 : i32
      %rem3A_132 = arith.remsi %scan3A_59, %select_n3A_131 : i32
      %ne3A_133 = arith.constant 0 : i32
      %ne3A_134 = arith.cmpi ne, %rem3A_132, %ne3A_133 : i32
      %lt3A_135 = arith.constant 0 : i32
      %lt3A_136 = arith.cmpi slt, %rem3A_132, %lt3A_135 : i32
      %lt3A_137 = arith.constant 0 : i32
      %lt3A_138 = arith.cmpi slt, %select_n3A_131, %lt3A_137 : i32
      %ne3A_139 = arith.xori %lt3A_136, %lt3A_138 : i1
      %and3A_140 = arith.andi %ne3A_139, %ne3A_134 : i1
      %add3A_141 = arith.addi %rem3A_132, %select_n3A_131 : i32
      %select_n3A_142 = arith.select %and3A_140, %add3A_141, %rem3A_132 : i32
      %eq3A_143 = arith.constant 0 : i32
      %eq3A_144 = arith.cmpi eq, %select_n3A_142, %eq3A_143 : i32
      %broadcast_in_dim3A_145 = arith.constant -1.000000e+00 : f32
      %broadcast_in_dim3A_146 = vector.broadcast %broadcast_in_dim3A_145 : f32 to vector<16xf32>
      %select_n3A_147 = arith.select %eq3A_144, %broadcast_in_dim3A_146, %scan3A_60 : vector<16xf32>
      %broadcast_in_dim3A_148 = arith.constant 0 : i32
      %broadcast_in_dim3A_149 = vector.broadcast %broadcast_in_dim3A_148 : i32 to vector<16xi32>
      %select_n3A_150 = arith.select %eq3A_144, %broadcast_in_dim3A_149, %scan3A_61 : vector<16xi32>
      %broadcast_in_dim3A_151 = arith.constant -1.000000e+00 : f32
      %broadcast_in_dim3A_152 = vector.broadcast %broadcast_in_dim3A_151 : f32 to vector<16xf32>
      %select_n3A_153 = arith.select %eq3A_144, %broadcast_in_dim3A_152, %scan3A_62 : vector<16xf32>
      %jit3A_154 = arith.constant 8 : i32
      %eq3A_155 = arith.constant 0 : i32
      %eq3A_156 = arith.cmpi eq, %jit3A_154, %eq3A_155 : i32
      %jit3A_157 = arith.constant 1 : i32
      %select_n3A_158 = arith.select %eq3A_156, %jit3A_157, %jit3A_154 : i32
      %rem3A_159 = arith.remsi %scan3A_59, %select_n3A_158 : i32
      %ne3A_160 = arith.constant 0 : i32
      %ne3A_161 = arith.cmpi ne, %rem3A_159, %ne3A_160 : i32
      %lt3A_162 = arith.constant 0 : i32
      %lt3A_163 = arith.cmpi slt, %rem3A_159, %lt3A_162 : i32
      %lt3A_164 = arith.constant 0 : i32
      %lt3A_165 = arith.cmpi slt, %select_n3A_158, %lt3A_164 : i32
      %ne3A_166 = arith.xori %lt3A_163, %lt3A_165 : i1
      %and3A_167 = arith.andi %ne3A_166, %ne3A_161 : i1
      %add3A_168 = arith.addi %rem3A_159, %select_n3A_158 : i32
      %select_n3A_169 = arith.select %and3A_167, %add3A_168, %rem3A_159 : i32
      %mul3A_170 = arith.constant 32768 : i32
      %mul3A_171 = arith.muli %select_n3A_169, %mul3A_170 : i32
      %broadcast_in_dim3A_172 = arith.constant 0 : i32
      %broadcast_in_dim3A_173 = vector.broadcast %broadcast_in_dim3A_172 : i32 to vector<16xi32>
      %add3A_174 = vector.broadcast %select_n3A_71 : i32 to vector<16xi32>
      %add3A_175 = arith.addi %broadcast_in_dim3A_173, %add3A_174 : vector<16xi32>
      %add3A_176 = arith.constant 1 : i32
      %add3A_177 = arith.addi %scan3A_59, %add3A_176 : i32
      %min3A = arith.constant 31 : i32
      %min3A_178 = arith.minsi %add3A_177, %min3A : i32
      %mul3A_179 = arith.constant 4 : i32
      %mul3A_180 = arith.muli %add3A, %mul3A_179 : i32
      %jit3A_181 = arith.constant 8 : i32
      %div3A_182 = arith.divsi %min3A_178, %jit3A_181 : i32
      %sign3A_183 = arith.constant 0 : i32
      %sign3A_184 = arith.cmpi sgt, %min3A_178, %sign3A_183 : i32
      %sign3A_185 = arith.extui %sign3A_184 : i1 to i32
      %sign3A_186 = arith.constant 0 : i32
      %sign3A_187 = arith.cmpi slt, %min3A_178, %sign3A_186 : i32
      %sign3A_188 = arith.extui %sign3A_187 : i1 to i32
      %sign3A_189 = arith.subi %sign3A_185, %sign3A_188 : i32
      %sign3A_190 = arith.constant 0 : i32
      %sign3A_191 = arith.cmpi sgt, %jit3A_181, %sign3A_190 : i32
      %sign3A_192 = arith.extui %sign3A_191 : i1 to i32
      %sign3A_193 = arith.constant 0 : i32
      %sign3A_194 = arith.cmpi slt, %jit3A_181, %sign3A_193 : i32
      %sign3A_195 = arith.extui %sign3A_194 : i1 to i32
      %sign3A_196 = arith.subi %sign3A_192, %sign3A_195 : i32
      %ne3A_197 = arith.cmpi ne, %sign3A_189, %sign3A_196 : i32
      %rem3A_198 = arith.remsi %min3A_178, %jit3A_181 : i32
      %ne3A_199 = arith.constant 0 : i32
      %ne3A_200 = arith.cmpi ne, %rem3A_198, %ne3A_199 : i32
      %and3A_201 = arith.andi %ne3A_197, %ne3A_200 : i1
      %sub3A_202 = arith.constant 1 : i32
      %sub3A_203 = arith.subi %div3A_182, %sub3A_202 : i32
      %select_n3A_204 = arith.select %and3A_201, %sub3A_203, %div3A_182 : i32
      %add3A_205 = arith.addi %mul3A_180, %select_n3A_204 : i32
      %jit3A_206 = arith.constant 8 : i32
      %eq3A_207 = arith.constant 0 : i32
      %eq3A_208 = arith.cmpi eq, %jit3A_206, %eq3A_207 : i32
      %jit3A_209 = arith.constant 1 : i32
      %select_n3A_210 = arith.select %eq3A_208, %jit3A_209, %jit3A_206 : i32
      %rem3A_211 = arith.remsi %min3A_178, %select_n3A_210 : i32
      %ne3A_212 = arith.constant 0 : i32
      %ne3A_213 = arith.cmpi ne, %rem3A_211, %ne3A_212 : i32
      %lt3A_214 = arith.constant 0 : i32
      %lt3A_215 = arith.cmpi slt, %rem3A_211, %lt3A_214 : i32
      %lt3A_216 = arith.constant 0 : i32
      %lt3A_217 = arith.cmpi slt, %select_n3A_210, %lt3A_216 : i32
      %ne3A_218 = arith.xori %lt3A_215, %lt3A_217 : i1
      %and3A_219 = arith.andi %ne3A_218, %ne3A_213 : i1
      %add3A_220 = arith.addi %rem3A_211, %select_n3A_210 : i32
      %select_n3A_221 = arith.select %and3A_219, %add3A_220, %rem3A_211 : i32
      %mul3A_222 = arith.constant 32768 : i32
      %mul3A_223 = arith.muli %select_n3A_221, %mul3A_222 : i32
      %scan3A_224 = arith.constant 0 : i32
      %scan3A_225 = arith.constant 32 : i32
      %scan3A_226 = arith.addi %scan3A_224, %scan3A_225 : i32
      %scan3A_227 = arith.constant 1 : i32
      %scan3A_228 = scf.for %scan3A_255 = %scan3A_224 to %scan3A_226 step %scan3A_227 iter_args(%scan3A_256 = %broadcast_in_dim3A_7) -> (vector<16xf32>)  : i32 {
        %mul3A_257 = arith.constant 1024 : i32
        %mul3A_258 = arith.muli %scan3A_255, %mul3A_257 : i32
        %add3A_259 = arith.constant 0 : i32
        %add3A_260 = arith.addi %mul3A_258, %add3A_259 : i32
        %add3A_261 = arith.constant 0 : i32
        %add3A_262 = arith.addi %add3A_260, %add3A_261 : i32
        %get3A = arith.index_cast %select_n3A_71 : i32 to index
        %get3A_263 = arith.index_cast %add3A_262 : i32 to index
        %get3A_264 = tpu.vector_load %arg5[%get3A, %get3A_263] {strides = array<i32>} : memref<2x32768xf32, #tpu.memory_space<vmem>>, vector<16xf32>,
        %add3A_265 = arith.constant 16 : i32
        %add3A_266 = arith.addi %add3A_260, %add3A_265 : i32
        %get3A_267 = arith.index_cast %select_n3A_71 : i32 to index
        %get3A_268 = arith.index_cast %add3A_266 : i32 to index
        %get3A_269 = tpu.vector_load %arg5[%get3A_267, %get3A_268] {strides = array<i32>} : memref<2x32768xf32, #tpu.memory_space<vmem>>, vector<16xf32>,
        %add3A_270 = arith.constant 32 : i32
        %add3A_271 = arith.addi %add3A_260, %add3A_270 : i32
        %get3A_272 = arith.index_cast %select_n3A_71 : i32 to index
        %get3A_273 = arith.index_cast %add3A_271 : i32 to index
        %get3A_274 = tpu.vector_load %arg5[%get3A_272, %get3A_273] {strides = array<i32>} : memref<2x32768xf32, #tpu.memory_space<vmem>>, vector<16xf32>,
        %add3A_275 = arith.constant 48 : i32
        %add3A_276 = arith.addi %add3A_260, %add3A_275 : i32
        %get3A_277 = arith.index_cast %select_n3A_71 : i32 to index
        %get3A_278 = arith.index_cast %add3A_276 : i32 to index
        %get3A_279 = tpu.vector_load %arg5[%get3A_277, %get3A_278] {strides = array<i32>} : memref<2x32768xf32, #tpu.memory_space<vmem>>, vector<16xf32>,
        %add3A_280 = arith.constant 64 : i32
        %add3A_281 = arith.addi %add3A_260, %add3A_280 : i32
        %get3A_282 = arith.index_cast %select_n3A_71 : i32 to index
        %get3A_283 = arith.index_cast %add3A_281 : i32 to index
        %get3A_284 = tpu.vector_load %arg5[%get3A_282, %get3A_283] {strides = array<i32>} : memref<2x32768xf32, #tpu.memory_space<vmem>>, vector<16xf32>,
        %add3A_285 = arith.constant 80 : i32
        %add3A_286 = arith.addi %add3A_260, %add3A_285 : i32
        %get3A_287 = arith.index_cast %select_n3A_71 : i32 to index
        %get3A_288 = arith.index_cast %add3A_286 : i32 to index
        %get3A_289 = tpu.vector_load %arg5[%get3A_287, %get3A_288] {strides = array<i32>} : memref<2x32768xf32, #tpu.memory_space<vmem>>, vector<16xf32>,
        %add3A_290 = arith.constant 96 : i32
        %add3A_291 = arith.addi %add3A_260, %add3A_290 : i32
        %get3A_292 = arith.index_cast %select_n3A_71 : i32 to index
        %get3A_293 = arith.index_cast %add3A_291 : i32 to index
        %get3A_294 = tpu.vector_load %arg5[%get3A_292, %get3A_293] {strides = array<i32>} : memref<2x32768xf32, #tpu.memory_space<vmem>>, vector<16xf32>,
        %add3A_295 = arith.constant 112 : i32
        %add3A_296 = arith.addi %add3A_260, %add3A_295 : i32
        %get3A_297 = arith.index_cast %select_n3A_71 : i32 to index
        %get3A_298 = arith.index_cast %add3A_296 : i32 to index
        %get3A_299 = tpu.vector_load %arg5[%get3A_297, %get3A_298] {strides = array<i32>} : memref<2x32768xf32, #tpu.memory_space<vmem>>, vector<16xf32>,
        %add3A_300 = arith.constant 128 : i32
        %add3A_301 = arith.addi %add3A_260, %add3A_300 : i32
        %get3A_302 = arith.index_cast %select_n3A_71 : i32 to index
        %get3A_303 = arith.index_cast %add3A_301 : i32 to index
        %get3A_304 = tpu.vector_load %arg5[%get3A_302, %get3A_303] {strides = array<i32>} : memref<2x32768xf32, #tpu.memory_space<vmem>>, vector<16xf32>,
        %add3A_305 = arith.constant 144 : i32
        %add3A_306 = arith.addi %add3A_260, %add3A_305 : i32
        %get3A_307 = arith.index_cast %select_n3A_71 : i32 to index
        %get3A_308 = arith.index_cast %add3A_306 : i32 to index
        %get3A_309 = tpu.vector_load %arg5[%get3A_307, %get3A_308] {strides = array<i32>} : memref<2x32768xf32, #tpu.memory_space<vmem>>, vector<16xf32>,
        %add3A_310 = arith.constant 160 : i32
        %add3A_311 = arith.addi %add3A_260, %add3A_310 : i32
        %get3A_312 = arith.index_cast %select_n3A_71 : i32 to index
        %get3A_313 = arith.index_cast %add3A_311 : i32 to index
        %get3A_314 = tpu.vector_load %arg5[%get3A_312, %get3A_313] {strides = array<i32>} : memref<2x32768xf32, #tpu.memory_space<vmem>>, vector<16xf32>,
        %add3A_315 = arith.constant 176 : i32
        %add3A_316 = arith.addi %add3A_260, %add3A_315 : i32
        %get3A_317 = arith.index_cast %select_n3A_71 : i32 to index
        %get3A_318 = arith.index_cast %add3A_316 : i32 to index
        %get3A_319 = tpu.vector_load %arg5[%get3A_317, %get3A_318] {strides = array<i32>} : memref<2x32768xf32, #tpu.memory_space<vmem>>, vector<16xf32>,
        %add3A_320 = arith.constant 192 : i32
        %add3A_321 = arith.addi %add3A_260, %add3A_320 : i32
        %get3A_322 = arith.index_cast %select_n3A_71 : i32 to index
        %get3A_323 = arith.index_cast %add3A_321 : i32 to index
        %get3A_324 = tpu.vector_load %arg5[%get3A_322, %get3A_323] {strides = array<i32>} : memref<2x32768xf32, #tpu.memory_space<vmem>>, vector<16xf32>,
        %add3A_325 = arith.constant 208 : i32
        %add3A_326 = arith.addi %add3A_260, %add3A_325 : i32
        %get3A_327 = arith.index_cast %select_n3A_71 : i32 to index
        %get3A_328 = arith.index_cast %add3A_326 : i32 to index
        %get3A_329 = tpu.vector_load %arg5[%get3A_327, %get3A_328] {strides = array<i32>} : memref<2x32768xf32, #tpu.memory_space<vmem>>, vector<16xf32>,
        %add3A_330 = arith.constant 224 : i32
        %add3A_331 = arith.addi %add3A_260, %add3A_330 : i32
        %get3A_332 = arith.index_cast %select_n3A_71 : i32 to index
        %get3A_333 = arith.index_cast %add3A_331 : i32 to index
        %get3A_334 = tpu.vector_load %arg5[%get3A_332, %get3A_333] {strides = array<i32>} : memref<2x32768xf32, #tpu.memory_space<vmem>>, vector<16xf32>,
        %add3A_335 = arith.constant 240 : i32
        %add3A_336 = arith.addi %add3A_260, %add3A_335 : i32
        %get3A_337 = arith.index_cast %select_n3A_71 : i32 to index
        %get3A_338 = arith.index_cast %add3A_336 : i32 to index
        %get3A_339 = tpu.vector_load %arg5[%get3A_337, %get3A_338] {strides = array<i32>} : memref<2x32768xf32, #tpu.memory_space<vmem>>, vector<16xf32>,
        %max3A_340 = arith.maximumf %get3A_264, %get3A_269 : vector<16xf32>
        %max3A_341 = arith.maximumf %get3A_274, %get3A_279 : vector<16xf32>
        %max3A_342 = arith.maximumf %get3A_284, %get3A_289 : vector<16xf32>
        %max3A_343 = arith.maximumf %get3A_294, %get3A_299 : vector<16xf32>
        %max3A_344 = arith.maximumf %get3A_304, %get3A_309 : vector<16xf32>
        %max3A_345 = arith.maximumf %get3A_314, %get3A_319 : vector<16xf32>
        %max3A_346 = arith.maximumf %get3A_324, %get3A_329 : vector<16xf32>
        %max3A_347 = arith.maximumf %get3A_334, %get3A_339 : vector<16xf32>
        %max3A_348 = arith.maximumf %max3A_340, %max3A_341 : vector<16xf32>
        %max3A_349 = arith.maximumf %max3A_342, %max3A_343 : vector<16xf32>
        %max3A_350 = arith.maximumf %max3A_344, %max3A_345 : vector<16xf32>
        %max3A_351 = arith.maximumf %max3A_346, %max3A_347 : vector<16xf32>
        %max3A_352 = arith.maximumf %max3A_348, %max3A_349 : vector<16xf32>
        %max3A_353 = arith.maximumf %max3A_350, %max3A_351 : vector<16xf32>
        %max3A_354 = arith.maximumf %max3A_352, %max3A_353 : vector<16xf32>
        %broadcast_in_dim3A_355 = arith.constant true
        %broadcast_in_dim3A_356 = vector.broadcast %broadcast_in_dim3A_355 : i1 to vector<16xi1>
        %masked_cummax3A = tpu.scan <max>, %max3A_354 masked %broadcast_in_dim3A_356 : vector<16xf32>, vector<16xi1> -> vector<16xf32>
        %broadcast_in_dim3A_357 = vector.shape_cast %broadcast_in_dim3A_5 : vector<16xi32> to vector<16x1xi32>
        %gather3A = vector.shape_cast %broadcast_in_dim3A_357 : vector<16x1xi32> to vector<16xi32>
        %gather3A_358 = tpu.dynamic_gather %masked_cummax3A[%gather3A] in [0] : vector<16xf32>, vector<16xi32> -> vector<16xf32>
        %mul3A_359 = arith.constant 4 : i32
        %mul3A_360 = arith.muli %scan3A_255, %mul3A_359 : i32
        %add3A_361 = arith.constant 0 : i32
        %add3A_362 = arith.addi %mul3A_360, %add3A_361 : i32
        %jit3A_363 = arith.constant 16 : i32
        %eq3A_364 = arith.constant 0 : i32
        %eq3A_365 = arith.cmpi eq, %jit3A_363, %eq3A_364 : i32
        %jit3A_366 = arith.constant 1 : i32
        %select_n3A_367 = arith.select %eq3A_365, %jit3A_366, %jit3A_363 : i32
        %rem3A_368 = arith.remsi %add3A_362, %select_n3A_367 : i32
        %ne3A_369 = arith.constant 0 : i32
        %ne3A_370 = arith.cmpi ne, %rem3A_368, %ne3A_369 : i32
        %lt3A_371 = arith.constant 0 : i32
        %lt3A_372 = arith.cmpi slt, %rem3A_368, %lt3A_371 : i32
        %lt3A_373 = arith.constant 0 : i32
        %lt3A_374 = arith.cmpi slt, %select_n3A_367, %lt3A_373 : i32
        %ne3A_375 = arith.xori %lt3A_372, %lt3A_374 : i1
        %and3A_376 = arith.andi %ne3A_375, %ne3A_370 : i1
        %add3A_377 = arith.addi %rem3A_368, %select_n3A_367 : i32
        %select_n3A_378 = arith.select %and3A_376, %add3A_377, %rem3A_368 : i32
        %eq3A_379 = vector.broadcast %select_n3A_378 : i32 to vector<16xi32>
        %eq3A_380 = arith.cmpi eq, %iota3A, %eq3A_379 : vector<16xi32>
        %select_n3A_381 = arith.select %eq3A_380, %gather3A_358, %scan3A_256 : vector<16xi1>, vector<16xf32>
        %mul3A_382 = arith.constant 1024 : i32
        %mul3A_383 = arith.muli %scan3A_255, %mul3A_382 : i32
        %add3A_384 = arith.constant 256 : i32
        %add3A_385 = arith.addi %mul3A_383, %add3A_384 : i32
        %add3A_386 = arith.constant 0 : i32
        %add3A_387 = arith.addi %add3A_385, %add3A_386 : i32
        %get3A_388 = arith.index_cast %select_n3A_71 : i32 to index
        %get3A_389 = arith.index_cast %add3A_387 : i32 to index
        %get3A_390 = tpu.vector_load %arg5[%get3A_388, %get3A_389] {strides = array<i32>} : memref<2x32768xf32, #tpu.memory_space<vmem>>, vector<16xf32>,
        %add3A_391 = arith.constant 16 : i32
        %add3A_392 = arith.addi %add3A_385, %add3A_391 : i32
        %get3A_393 = arith.index_cast %select_n3A_71 : i32 to index
        %get3A_394 = arith.index_cast %add3A_392 : i32 to index
        %get3A_395 = tpu.vector_load %arg5[%get3A_393, %get3A_394] {strides = array<i32>} : memref<2x32768xf32, #tpu.memory_space<vmem>>, vector<16xf32>,
        %add3A_396 = arith.constant 32 : i32
        %add3A_397 = arith.addi %add3A_385, %add3A_396 : i32
        %get3A_398 = arith.index_cast %select_n3A_71 : i32 to index
        %get3A_399 = arith.index_cast %add3A_397 : i32 to index
        %get3A_400 = tpu.vector_load %arg5[%get3A_398, %get3A_399] {strides = array<i32>} : memref<2x32768xf32, #tpu.memory_space<vmem>>, vector<16xf32>,
        %add3A_401 = arith.constant 48 : i32
        %add3A_402 = arith.addi %add3A_385, %add3A_401 : i32
        %get3A_403 = arith.index_cast %select_n3A_71 : i32 to index
        %get3A_404 = arith.index_cast %add3A_402 : i32 to index
        %get3A_405 = tpu.vector_load %arg5[%get3A_403, %get3A_404] {strides = array<i32>} : memref<2x32768xf32, #tpu.memory_space<vmem>>, vector<16xf32>,
        %add3A_406 = arith.constant 64 : i32
        %add3A_407 = arith.addi %add3A_385, %add3A_406 : i32
        %get3A_408 = arith.index_cast %select_n3A_71 : i32 to index
        %get3A_409 = arith.index_cast %add3A_407 : i32 to index
        %get3A_410 = tpu.vector_load %arg5[%get3A_408, %get3A_409] {strides = array<i32>} : memref<2x32768xf32, #tpu.memory_space<vmem>>, vector<16xf32>,
        %add3A_411 = arith.constant 80 : i32
        %add3A_412 = arith.addi %add3A_385, %add3A_411 : i32
        %get3A_413 = arith.index_cast %select_n3A_71 : i32 to index
        %get3A_414 = arith.index_cast %add3A_412 : i32 to index
        %get3A_415 = tpu.vector_load %arg5[%get3A_413, %get3A_414] {strides = array<i32>} : memref<2x32768xf32, #tpu.memory_space<vmem>>, vector<16xf32>,
        %add3A_416 = arith.constant 96 : i32
        %add3A_417 = arith.addi %add3A_385, %add3A_416 : i32
        %get3A_418 = arith.index_cast %select_n3A_71 : i32 to index
        %get3A_419 = arith.index_cast %add3A_417 : i32 to index
        %get3A_420 = tpu.vector_load %arg5[%get3A_418, %get3A_419] {strides = array<i32>} : memref<2x32768xf32, #tpu.memory_space<vmem>>, vector<16xf32>,
        %add3A_421 = arith.constant 112 : i32
        %add3A_422 = arith.addi %add3A_385, %add3A_421 : i32
        %get3A_423 = arith.index_cast %select_n3A_71 : i32 to index
        %get3A_424 = arith.index_cast %add3A_422 : i32 to index
        %get3A_425 = tpu.vector_load %arg5[%get3A_423, %get3A_424] {strides = array<i32>} : memref<2x32768xf32, #tpu.memory_space<vmem>>, vector<16xf32>,
        %add3A_426 = arith.constant 128 : i32
        %add3A_427 = arith.addi %add3A_385, %add3A_426 : i32
        %get3A_428 = arith.index_cast %select_n3A_71 : i32 to index
        %get3A_429 = arith.index_cast %add3A_427 : i32 to index
        %get3A_430 = tpu.vector_load %arg5[%get3A_428, %get3A_429] {strides = array<i32>} : memref<2x32768xf32, #tpu.memory_space<vmem>>, vector<16xf32>,
        %add3A_431 = arith.constant 144 : i32
        %add3A_432 = arith.addi %add3A_385, %add3A_431 : i32
        %get3A_433 = arith.index_cast %select_n3A_71 : i32 to index
        %get3A_434 = arith.index_cast %add3A_432 : i32 to index
        %get3A_435 = tpu.vector_load %arg5[%get3A_433, %get3A_434] {strides = array<i32>} : memref<2x32768xf32, #tpu.memory_space<vmem>>, vector<16xf32>,
        %add3A_436 = arith.constant 160 : i32
        %add3A_437 = arith.addi %add3A_385, %add3A_436 : i32
        %get3A_438 = arith.index_cast %select_n3A_71 : i32 to index
        %get3A_439 = arith.index_cast %add3A_437 : i32 to index
        %get3A_440 = tpu.vector_load %arg5[%get3A_438, %get3A_439] {strides = array<i32>} : memref<2x32768xf32, #tpu.memory_space<vmem>>, vector<16xf32>,
        %add3A_441 = arith.constant 176 : i32
        %add3A_442 = arith.addi %add3A_385, %add3A_441 : i32
        %get3A_443 = arith.index_cast %select_n3A_71 : i32 to index
        %get3A_444 = arith.index_cast %add3A_442 : i32 to index
        %get3A_445 = tpu.vector_load %arg5[%get3A_443, %get3A_444] {strides = array<i32>} : memref<2x32768xf32, #tpu.memory_space<vmem>>, vector<16xf32>,
        %add3A_446 = arith.constant 192 : i32
        %add3A_447 = arith.addi %add3A_385, %add3A_446 : i32
        %get3A_448 = arith.index_cast %select_n3A_71 : i32 to index
        %get3A_449 = arith.index_cast %add3A_447 : i32 to index
        %get3A_450 = tpu.vector_load %arg5[%get3A_448, %get3A_449] {strides = array<i32>} : memref<2x32768xf32, #tpu.memory_space<vmem>>, vector<16xf32>,
        %add3A_451 = arith.constant 208 : i32
        %add3A_452 = arith.addi %add3A_385, %add3A_451 : i32
        %get3A_453 = arith.index_cast %select_n3A_71 : i32 to index
        %get3A_454 = arith.index_cast %add3A_452 : i32 to index
        %get3A_455 = tpu.vector_load %arg5[%get3A_453, %get3A_454] {strides = array<i32>} : memref<2x32768xf32, #tpu.memory_space<vmem>>, vector<16xf32>,
        %add3A_456 = arith.constant 224 : i32
        %add3A_457 = arith.addi %add3A_385, %add3A_456 : i32
        %get3A_458 = arith.index_cast %select_n3A_71 : i32 to index
        %get3A_459 = arith.index_cast %add3A_457 : i32 to index
        %get3A_460 = tpu.vector_load %arg5[%get3A_458, %get3A_459] {strides = array<i32>} : memref<2x32768xf32, #tpu.memory_space<vmem>>, vector<16xf32>,
        %add3A_461 = arith.constant 240 : i32
        %add3A_462 = arith.addi %add3A_385, %add3A_461 : i32
        %get3A_463 = arith.index_cast %select_n3A_71 : i32 to index
        %get3A_464 = arith.index_cast %add3A_462 : i32 to index
        %get3A_465 = tpu.vector_load %arg5[%get3A_463, %get3A_464] {strides = array<i32>} : memref<2x32768xf32, #tpu.memory_space<vmem>>, vector<16xf32>,
        %max3A_466 = arith.maximumf %get3A_390, %get3A_395 : vector<16xf32>
        %max3A_467 = arith.maximumf %get3A_400, %get3A_405 : vector<16xf32>
        %max3A_468 = arith.maximumf %get3A_410, %get3A_415 : vector<16xf32>
        %max3A_469 = arith.maximumf %get3A_420, %get3A_425 : vector<16xf32>
        %max3A_470 = arith.maximumf %get3A_430, %get3A_435 : vector<16xf32>
        %max3A_471 = arith.maximumf %get3A_440, %get3A_445 : vector<16xf32>
        %max3A_472 = arith.maximumf %get3A_450, %get3A_455 : vector<16xf32>
        %max3A_473 = arith.maximumf %get3A_460, %get3A_465 : vector<16xf32>
        %max3A_474 = arith.maximumf %max3A_466, %max3A_467 : vector<16xf32>
        %max3A_475 = arith.maximumf %max3A_468, %max3A_469 : vector<16xf32>
        %max3A_476 = arith.maximumf %max3A_470, %max3A_471 : vector<16xf32>
        %max3A_477 = arith.maximumf %max3A_472, %max3A_473 : vector<16xf32>
        %max3A_478 = arith.maximumf %max3A_474, %max3A_475 : vector<16xf32>
        %max3A_479 = arith.maximumf %max3A_476, %max3A_477 : vector<16xf32>
        %max3A_480 = arith.maximumf %max3A_478, %max3A_479 : vector<16xf32>
        %broadcast_in_dim3A_481 = arith.constant true
        %broadcast_in_dim3A_482 = vector.broadcast %broadcast_in_dim3A_481 : i1 to vector<16xi1>
        %masked_cummax3A_483 = tpu.scan <max>, %max3A_480 masked %broadcast_in_dim3A_482 : vector<16xf32>, vector<16xi1> -> vector<16xf32>
        %broadcast_in_dim3A_484 = vector.shape_cast %broadcast_in_dim3A_5 : vector<16xi32> to vector<16x1xi32>
        %gather3A_485 = vector.shape_cast %broadcast_in_dim3A_484 : vector<16x1xi32> to vector<16xi32>
        %gather3A_486 = tpu.dynamic_gather %masked_cummax3A_483[%gather3A_485] in [0] : vector<16xf32>, vector<16xi32> -> vector<16xf32>
        %mul3A_487 = arith.constant 4 : i32
        %mul3A_488 = arith.muli %scan3A_255, %mul3A_487 : i32
        %add3A_489 = arith.constant 1 : i32
        %add3A_490 = arith.addi %mul3A_488, %add3A_489 : i32
        %jit3A_491 = arith.constant 16 : i32
        %eq3A_492 = arith.constant 0 : i32
        %eq3A_493 = arith.cmpi eq, %jit3A_491, %eq3A_492 : i32
        %jit3A_494 = arith.constant 1 : i32
        %select_n3A_495 = arith.select %eq3A_493, %jit3A_494, %jit3A_491 : i32
        %rem3A_496 = arith.remsi %add3A_490, %select_n3A_495 : i32
        %ne3A_497 = arith.constant 0 : i32
        %ne3A_498 = arith.cmpi ne, %rem3A_496, %ne3A_497 : i32
        %lt3A_499 = arith.constant 0 : i32
        %lt3A_500 = arith.cmpi slt, %rem3A_496, %lt3A_499 : i32
        %lt3A_501 = arith.constant 0 : i32
        %lt3A_502 = arith.cmpi slt, %select_n3A_495, %lt3A_501 : i32
        %ne3A_503 = arith.xori %lt3A_500, %lt3A_502 : i1
        %and3A_504 = arith.andi %ne3A_503, %ne3A_498 : i1
        %add3A_505 = arith.addi %rem3A_496, %select_n3A_495 : i32
        %select_n3A_506 = arith.select %and3A_504, %add3A_505, %rem3A_496 : i32
        %eq3A_507 = vector.broadcast %select_n3A_506 : i32 to vector<16xi32>
        %eq3A_508 = arith.cmpi eq, %iota3A, %eq3A_507 : vector<16xi32>
        %select_n3A_509 = arith.select %eq3A_508, %gather3A_486, %select_n3A_381 : vector<16xi1>, vector<16xf32>
        %mul3A_510 = arith.constant 1024 : i32
        %mul3A_511 = arith.muli %scan3A_255, %mul3A_510 : i32
        %add3A_512 = arith.constant 512 : i32
        %add3A_513 = arith.addi %mul3A_511, %add3A_512 : i32
        %add3A_514 = arith.constant 0 : i32
        %add3A_515 = arith.addi %add3A_513, %add3A_514 : i32
        %get3A_516 = arith.index_cast %select_n3A_71 : i32 to index
        %get3A_517 = arith.index_cast %add3A_515 : i32 to index
        %get3A_518 = tpu.vector_load %arg5[%get3A_516, %get3A_517] {strides = array<i32>} : memref<2x32768xf32, #tpu.memory_space<vmem>>, vector<16xf32>,
        %add3A_519 = arith.constant 16 : i32
        %add3A_520 = arith.addi %add3A_513, %add3A_519 : i32
        %get3A_521 = arith.index_cast %select_n3A_71 : i32 to index
        %get3A_522 = arith.index_cast %add3A_520 : i32 to index
        %get3A_523 = tpu.vector_load %arg5[%get3A_521, %get3A_522] {strides = array<i32>} : memref<2x32768xf32, #tpu.memory_space<vmem>>, vector<16xf32>,
        %add3A_524 = arith.constant 32 : i32
        %add3A_525 = arith.addi %add3A_513, %add3A_524 : i32
        %get3A_526 = arith.index_cast %select_n3A_71 : i32 to index
        %get3A_527 = arith.index_cast %add3A_525 : i32 to index
        %get3A_528 = tpu.vector_load %arg5[%get3A_526, %get3A_527] {strides = array<i32>} : memref<2x32768xf32, #tpu.memory_space<vmem>>, vector<16xf32>,
        %add3A_529 = arith.constant 48 : i32
        %add3A_530 = arith.addi %add3A_513, %add3A_529 : i32
        %get3A_531 = arith.index_cast %select_n3A_71 : i32 to index
        %get3A_532 = arith.index_cast %add3A_530 : i32 to index
        %get3A_533 = tpu.vector_load %arg5[%get3A_531, %get3A_532] {strides = array<i32>} : memref<2x32768xf32, #tpu.memory_space<vmem>>, vector<16xf32>,
        %add3A_534 = arith.constant 64 : i32
        %add3A_535 = arith.addi %add3A_513, %add3A_534 : i32
        %get3A_536 = arith.index_cast %select_n3A_71 : i32 to index
        %get3A_537 = arith.index_cast %add3A_535 : i32 to index
        %get3A_538 = tpu.vector_load %arg5[%get3A_536, %get3A_537] {strides = array<i32>} : memref<2x32768xf32, #tpu.memory_space<vmem>>, vector<16xf32>,
        %add3A_539 = arith.constant 80 : i32
        %add3A_540 = arith.addi %add3A_513, %add3A_539 : i32
        %get3A_541 = arith.index_cast %select_n3A_71 : i32 to index
        %get3A_542 = arith.index_cast %add3A_540 : i32 to index
        %get3A_543 = tpu.vector_load %arg5[%get3A_541, %get3A_542] {strides = array<i32>} : memref<2x32768xf32, #tpu.memory_space<vmem>>, vector<16xf32>,
        %add3A_544 = arith.constant 96 : i32
        %add3A_545 = arith.addi %add3A_513, %add3A_544 : i32
        %get3A_546 = arith.index_cast %select_n3A_71 : i32 to index
        %get3A_547 = arith.index_cast %add3A_545 : i32 to index
        %get3A_548 = tpu.vector_load %arg5[%get3A_546, %get3A_547] {strides = array<i32>} : memref<2x32768xf32, #tpu.memory_space<vmem>>, vector<16xf32>,
        %add3A_549 = arith.constant 112 : i32
        %add3A_550 = arith.addi %add3A_513, %add3A_549 : i32
        %get3A_551 = arith.index_cast %select_n3A_71 : i32 to index
        %get3A_552 = arith.index_cast %add3A_550 : i32 to index
        %get3A_553 = tpu.vector_load %arg5[%get3A_551, %get3A_552] {strides = array<i32>} : memref<2x32768xf32, #tpu.memory_space<vmem>>, vector<16xf32>,
        %add3A_554 = arith.constant 128 : i32
        %add3A_555 = arith.addi %add3A_513, %add3A_554 : i32
        %get3A_556 = arith.index_cast %select_n3A_71 : i32 to index
        %get3A_557 = arith.index_cast %add3A_555 : i32 to index
        %get3A_558 = tpu.vector_load %arg5[%get3A_556, %get3A_557] {strides = array<i32>} : memref<2x32768xf32, #tpu.memory_space<vmem>>, vector<16xf32>,
        %add3A_559 = arith.constant 144 : i32
        %add3A_560 = arith.addi %add3A_513, %add3A_559 : i32
        %get3A_561 = arith.index_cast %select_n3A_71 : i32 to index
        %get3A_562 = arith.index_cast %add3A_560 : i32 to index
        %get3A_563 = tpu.vector_load %arg5[%get3A_561, %get3A_562] {strides = array<i32>} : memref<2x32768xf32, #tpu.memory_space<vmem>>, vector<16xf32>,
        %add3A_564 = arith.constant 160 : i32
        %add3A_565 = arith.addi %add3A_513, %add3A_564 : i32
        %get3A_566 = arith.index_cast %select_n3A_71 : i32 to index
        %get3A_567 = arith.index_cast %add3A_565 : i32 to index
        %get3A_568 = tpu.vector_load %arg5[%get3A_566, %get3A_567] {strides = array<i32>} : memref<2x32768xf32, #tpu.memory_space<vmem>>, vector<16xf32>,
        %add3A_569 = arith.constant 176 : i32
        %add3A_570 = arith.addi %add3A_513, %add3A_569 : i32
        %get3A_571 = arith.index_cast %select_n3A_71 : i32 to index
        %get3A_572 = arith.index_cast %add3A_570 : i32 to index
        %get3A_573 = tpu.vector_load %arg5[%get3A_571, %get3A_572] {strides = array<i32>} : memref<2x32768xf32, #tpu.memory_space<vmem>>, vector<16xf32>,
        %add3A_574 = arith.constant 192 : i32
        %add3A_575 = arith.addi %add3A_513, %add3A_574 : i32
        %get3A_576 = arith.index_cast %select_n3A_71 : i32 to index
        %get3A_577 = arith.index_cast %add3A_575 : i32 to index
        %get3A_578 = tpu.vector_load %arg5[%get3A_576, %get3A_577] {strides = array<i32>} : memref<2x32768xf32, #tpu.memory_space<vmem>>, vector<16xf32>,
        %add3A_579 = arith.constant 208 : i32
        %add3A_580 = arith.addi %add3A_513, %add3A_579 : i32
        %get3A_581 = arith.index_cast %select_n3A_71 : i32 to index
        %get3A_582 = arith.index_cast %add3A_580 : i32 to index
        %get3A_583 = tpu.vector_load %arg5[%get3A_581, %get3A_582] {strides = array<i32>} : memref<2x32768xf32, #tpu.memory_space<vmem>>, vector<16xf32>,
        %add3A_584 = arith.constant 224 : i32
        %add3A_585 = arith.addi %add3A_513, %add3A_584 : i32
        %get3A_586 = arith.index_cast %select_n3A_71 : i32 to index
        %get3A_587 = arith.index_cast %add3A_585 : i32 to index
        %get3A_588 = tpu.vector_load %arg5[%get3A_586, %get3A_587] {strides = array<i32>} : memref<2x32768xf32, #tpu.memory_space<vmem>>, vector<16xf32>,
        %add3A_589 = arith.constant 240 : i32
        %add3A_590 = arith.addi %add3A_513, %add3A_589 : i32
        %get3A_591 = arith.index_cast %select_n3A_71 : i32 to index
        %get3A_592 = arith.index_cast %add3A_590 : i32 to index
        %get3A_593 = tpu.vector_load %arg5[%get3A_591, %get3A_592] {strides = array<i32>} : memref<2x32768xf32, #tpu.memory_space<vmem>>, vector<16xf32>,
        %max3A_594 = arith.maximumf %get3A_518, %get3A_523 : vector<16xf32>
        %max3A_595 = arith.maximumf %get3A_528, %get3A_533 : vector<16xf32>
        %max3A_596 = arith.maximumf %get3A_538, %get3A_543 : vector<16xf32>
        %max3A_597 = arith.maximumf %get3A_548, %get3A_553 : vector<16xf32>
        %max3A_598 = arith.maximumf %get3A_558, %get3A_563 : vector<16xf32>
        %max3A_599 = arith.maximumf %get3A_568, %get3A_573 : vector<16xf32>
        %max3A_600 = arith.maximumf %get3A_578, %get3A_583 : vector<16xf32>
        %max3A_601 = arith.maximumf %get3A_588, %get3A_593 : vector<16xf32>
        %max3A_602 = arith.maximumf %max3A_594, %max3A_595 : vector<16xf32>
        %max3A_603 = arith.maximumf %max3A_596, %max3A_597 : vector<16xf32>
        %max3A_604 = arith.maximumf %max3A_598, %max3A_599 : vector<16xf32>
        %max3A_605 = arith.maximumf %max3A_600, %max3A_601 : vector<16xf32>
        %max3A_606 = arith.maximumf %max3A_602, %max3A_603 : vector<16xf32>
        %max3A_607 = arith.maximumf %max3A_604, %max3A_605 : vector<16xf32>
        %max3A_608 = arith.maximumf %max3A_606, %max3A_607 : vector<16xf32>
        %broadcast_in_dim3A_609 = arith.constant true
        %broadcast_in_dim3A_610 = vector.broadcast %broadcast_in_dim3A_609 : i1 to vector<16xi1>
        %masked_cummax3A_611 = tpu.scan <max>, %max3A_608 masked %broadcast_in_dim3A_610 : vector<16xf32>, vector<16xi1> -> vector<16xf32>
        %broadcast_in_dim3A_612 = vector.shape_cast %broadcast_in_dim3A_5 : vector<16xi32> to vector<16x1xi32>
        %gather3A_613 = vector.shape_cast %broadcast_in_dim3A_612 : vector<16x1xi32> to vector<16xi32>
        %gather3A_614 = tpu.dynamic_gather %masked_cummax3A_611[%gather3A_613] in [0] : vector<16xf32>, vector<16xi32> -> vector<16xf32>
        %mul3A_615 = arith.constant 4 : i32
        %mul3A_616 = arith.muli %scan3A_255, %mul3A_615 : i32
        %add3A_617 = arith.constant 2 : i32
        %add3A_618 = arith.addi %mul3A_616, %add3A_617 : i32
        %jit3A_619 = arith.constant 16 : i32
        %eq3A_620 = arith.constant 0 : i32
        %eq3A_621 = arith.cmpi eq, %jit3A_619, %eq3A_620 : i32
        %jit3A_622 = arith.constant 1 : i32
        %select_n3A_623 = arith.select %eq3A_621, %jit3A_622, %jit3A_619 : i32
        %rem3A_624 = arith.remsi %add3A_618, %select_n3A_623 : i32
        %ne3A_625 = arith.constant 0 : i32
        %ne3A_626 = arith.cmpi ne, %rem3A_624, %ne3A_625 : i32
        %lt3A_627 = arith.constant 0 : i32
        %lt3A_628 = arith.cmpi slt, %rem3A_624, %lt3A_627 : i32
        %lt3A_629 = arith.constant 0 : i32
        %lt3A_630 = arith.cmpi slt, %select_n3A_623, %lt3A_629 : i32
        %ne3A_631 = arith.xori %lt3A_628, %lt3A_630 : i1
        %and3A_632 = arith.andi %ne3A_631, %ne3A_626 : i1
        %add3A_633 = arith.addi %rem3A_624, %select_n3A_623 : i32
        %select_n3A_634 = arith.select %and3A_632, %add3A_633, %rem3A_624 : i32
        %eq3A_635 = vector.broadcast %select_n3A_634 : i32 to vector<16xi32>
        %eq3A_636 = arith.cmpi eq, %iota3A, %eq3A_635 : vector<16xi32>
        %select_n3A_637 = arith.select %eq3A_636, %gather3A_614, %select_n3A_509 : vector<16xi1>, vector<16xf32>
        %mul3A_638 = arith.constant 1024 : i32
        %mul3A_639 = arith.muli %scan3A_255, %mul3A_638 : i32
        %add3A_640 = arith.constant 768 : i32
        %add3A_641 = arith.addi %mul3A_639, %add3A_640 : i32
        %add3A_642 = arith.constant 0 : i32
        %add3A_643 = arith.addi %add3A_641, %add3A_642 : i32
        %get3A_644 = arith.index_cast %select_n3A_71 : i32 to index
        %get3A_645 = arith.index_cast %add3A_643 : i32 to index
        %get3A_646 = tpu.vector_load %arg5[%get3A_644, %get3A_645] {strides = array<i32>} : memref<2x32768xf32, #tpu.memory_space<vmem>>, vector<16xf32>,
        %add3A_647 = arith.constant 16 : i32
        %add3A_648 = arith.addi %add3A_641, %add3A_647 : i32
        %get3A_649 = arith.index_cast %select_n3A_71 : i32 to index
        %get3A_650 = arith.index_cast %add3A_648 : i32 to index
        %get3A_651 = tpu.vector_load %arg5[%get3A_649, %get3A_650] {strides = array<i32>} : memref<2x32768xf32, #tpu.memory_space<vmem>>, vector<16xf32>,
        %add3A_652 = arith.constant 32 : i32
        %add3A_653 = arith.addi %add3A_641, %add3A_652 : i32
        %get3A_654 = arith.index_cast %select_n3A_71 : i32 to index
        %get3A_655 = arith.index_cast %add3A_653 : i32 to index
        %get3A_656 = tpu.vector_load %arg5[%get3A_654, %get3A_655] {strides = array<i32>} : memref<2x32768xf32, #tpu.memory_space<vmem>>, vector<16xf32>,
        %add3A_657 = arith.constant 48 : i32
        %add3A_658 = arith.addi %add3A_641, %add3A_657 : i32
        %get3A_659 = arith.index_cast %select_n3A_71 : i32 to index
        %get3A_660 = arith.index_cast %add3A_658 : i32 to index
        %get3A_661 = tpu.vector_load %arg5[%get3A_659, %get3A_660] {strides = array<i32>} : memref<2x32768xf32, #tpu.memory_space<vmem>>, vector<16xf32>,
        %add3A_662 = arith.constant 64 : i32
        %add3A_663 = arith.addi %add3A_641, %add3A_662 : i32
        %get3A_664 = arith.index_cast %select_n3A_71 : i32 to index
        %get3A_665 = arith.index_cast %add3A_663 : i32 to index
        %get3A_666 = tpu.vector_load %arg5[%get3A_664, %get3A_665] {strides = array<i32>} : memref<2x32768xf32, #tpu.memory_space<vmem>>, vector<16xf32>,
        %add3A_667 = arith.constant 80 : i32
        %add3A_668 = arith.addi %add3A_641, %add3A_667 : i32
        %get3A_669 = arith.index_cast %select_n3A_71 : i32 to index
        %get3A_670 = arith.index_cast %add3A_668 : i32 to index
        %get3A_671 = tpu.vector_load %arg5[%get3A_669, %get3A_670] {strides = array<i32>} : memref<2x32768xf32, #tpu.memory_space<vmem>>, vector<16xf32>,
        %add3A_672 = arith.constant 96 : i32
        %add3A_673 = arith.addi %add3A_641, %add3A_672 : i32
        %get3A_674 = arith.index_cast %select_n3A_71 : i32 to index
        %get3A_675 = arith.index_cast %add3A_673 : i32 to index
        %get3A_676 = tpu.vector_load %arg5[%get3A_674, %get3A_675] {strides = array<i32>} : memref<2x32768xf32, #tpu.memory_space<vmem>>, vector<16xf32>,
        %add3A_677 = arith.constant 112 : i32
        %add3A_678 = arith.addi %add3A_641, %add3A_677 : i32
        %get3A_679 = arith.index_cast %select_n3A_71 : i32 to index
        %get3A_680 = arith.index_cast %add3A_678 : i32 to index
        %get3A_681 = tpu.vector_load %arg5[%get3A_679, %get3A_680] {strides = array<i32>} : memref<2x32768xf32, #tpu.memory_space<vmem>>, vector<16xf32>,
        %add3A_682 = arith.constant 128 : i32
        %add3A_683 = arith.addi %add3A_641, %add3A_682 : i32
        %get3A_684 = arith.index_cast %select_n3A_71 : i32 to index
        %get3A_685 = arith.index_cast %add3A_683 : i32 to index
        %get3A_686 = tpu.vector_load %arg5[%get3A_684, %get3A_685] {strides = array<i32>} : memref<2x32768xf32, #tpu.memory_space<vmem>>, vector<16xf32>,
        %add3A_687 = arith.constant 144 : i32
        %add3A_688 = arith.addi %add3A_641, %add3A_687 : i32
        %get3A_689 = arith.index_cast %select_n3A_71 : i32 to index
        %get3A_690 = arith.index_cast %add3A_688 : i32 to index
        %get3A_691 = tpu.vector_load %arg5[%get3A_689, %get3A_690] {strides = array<i32>} : memref<2x32768xf32, #tpu.memory_space<vmem>>, vector<16xf32>,
        %add3A_692 = arith.constant 160 : i32
        %add3A_693 = arith.addi %add3A_641, %add3A_692 : i32
        %get3A_694 = arith.index_cast %select_n3A_71 : i32 to index
        %get3A_695 = arith.index_cast %add3A_693 : i32 to index
        %get3A_696 = tpu.vector_load %arg5[%get3A_694, %get3A_695] {strides = array<i32>} : memref<2x32768xf32, #tpu.memory_space<vmem>>, vector<16xf32>,
        %add3A_697 = arith.constant 176 : i32
        %add3A_698 = arith.addi %add3A_641, %add3A_697 : i32
        %get3A_699 = arith.index_cast %select_n3A_71 : i32 to index
        %get3A_700 = arith.index_cast %add3A_698 : i32 to index
        %get3A_701 = tpu.vector_load %arg5[%get3A_699, %get3A_700] {strides = array<i32>} : memref<2x32768xf32, #tpu.memory_space<vmem>>, vector<16xf32>,
        %add3A_702 = arith.constant 192 : i32
        %add3A_703 = arith.addi %add3A_641, %add3A_702 : i32
        %get3A_704 = arith.index_cast %select_n3A_71 : i32 to index
        %get3A_705 = arith.index_cast %add3A_703 : i32 to index
        %get3A_706 = tpu.vector_load %arg5[%get3A_704, %get3A_705] {strides = array<i32>} : memref<2x32768xf32, #tpu.memory_space<vmem>>, vector<16xf32>,
        %add3A_707 = arith.constant 208 : i32
        %add3A_708 = arith.addi %add3A_641, %add3A_707 : i32
        %get3A_709 = arith.index_cast %select_n3A_71 : i32 to index
        %get3A_710 = arith.index_cast %add3A_708 : i32 to index
        %get3A_711 = tpu.vector_load %arg5[%get3A_709, %get3A_710] {strides = array<i32>} : memref<2x32768xf32, #tpu.memory_space<vmem>>, vector<16xf32>,
        %add3A_712 = arith.constant 224 : i32
        %add3A_713 = arith.addi %add3A_641, %add3A_712 : i32
        %get3A_714 = arith.index_cast %select_n3A_71 : i32 to index
        %get3A_715 = arith.index_cast %add3A_713 : i32 to index
        %get3A_716 = tpu.vector_load %arg5[%get3A_714, %get3A_715] {strides = array<i32>} : memref<2x32768xf32, #tpu.memory_space<vmem>>, vector<16xf32>,
        %add3A_717 = arith.constant 240 : i32
        %add3A_718 = arith.addi %add3A_641, %add3A_717 : i32
        %get3A_719 = arith.index_cast %select_n3A_71 : i32 to index
        %get3A_720 = arith.index_cast %add3A_718 : i32 to index
        %get3A_721 = tpu.vector_load %arg5[%get3A_719, %get3A_720] {strides = array<i32>} : memref<2x32768xf32, #tpu.memory_space<vmem>>, vector<16xf32>,
        %max3A_722 = arith.maximumf %get3A_646, %get3A_651 : vector<16xf32>
        %max3A_723 = arith.maximumf %get3A_656, %get3A_661 : vector<16xf32>
        %max3A_724 = arith.maximumf %get3A_666, %get3A_671 : vector<16xf32>
        %max3A_725 = arith.maximumf %get3A_676, %get3A_681 : vector<16xf32>
        %max3A_726 = arith.maximumf %get3A_686, %get3A_691 : vector<16xf32>
        %max3A_727 = arith.maximumf %get3A_696, %get3A_701 : vector<16xf32>
        %max3A_728 = arith.maximumf %get3A_706, %get3A_711 : vector<16xf32>
        %max3A_729 = arith.maximumf %get3A_716, %get3A_721 : vector<16xf32>
        %max3A_730 = arith.maximumf %max3A_722, %max3A_723 : vector<16xf32>
        %max3A_731 = arith.maximumf %max3A_724, %max3A_725 : vector<16xf32>
        %max3A_732 = arith.maximumf %max3A_726, %max3A_727 : vector<16xf32>
        %max3A_733 = arith.maximumf %max3A_728, %max3A_729 : vector<16xf32>
        %max3A_734 = arith.maximumf %max3A_730, %max3A_731 : vector<16xf32>
        %max3A_735 = arith.maximumf %max3A_732, %max3A_733 : vector<16xf32>
        %max3A_736 = arith.maximumf %max3A_734, %max3A_735 : vector<16xf32>
        %broadcast_in_dim3A_737 = arith.constant true
        %broadcast_in_dim3A_738 = vector.broadcast %broadcast_in_dim3A_737 : i1 to vector<16xi1>
        %masked_cummax3A_739 = tpu.scan <max>, %max3A_736 masked %broadcast_in_dim3A_738 : vector<16xf32>, vector<16xi1> -> vector<16xf32>
        %broadcast_in_dim3A_740 = vector.shape_cast %broadcast_in_dim3A_5 : vector<16xi32> to vector<16x1xi32>
        %gather3A_741 = vector.shape_cast %broadcast_in_dim3A_740 : vector<16x1xi32> to vector<16xi32>
        %gather3A_742 = tpu.dynamic_gather %masked_cummax3A_739[%gather3A_741] in [0] : vector<16xf32>, vector<16xi32> -> vector<16xf32>
        %mul3A_743 = arith.constant 4 : i32
        %mul3A_744 = arith.muli %scan3A_255, %mul3A_743 : i32
        %add3A_745 = arith.constant 3 : i32
        %add3A_746 = arith.addi %mul3A_744, %add3A_745 : i32
        %jit3A_747 = arith.constant 16 : i32
        %eq3A_748 = arith.constant 0 : i32
        %eq3A_749 = arith.cmpi eq, %jit3A_747, %eq3A_748 : i32
        %jit3A_750 = arith.constant 1 : i32
        %select_n3A_751 = arith.select %eq3A_749, %jit3A_750, %jit3A_747 : i32
        %rem3A_752 = arith.remsi %add3A_746, %select_n3A_751 : i32
        %ne3A_753 = arith.constant 0 : i32
        %ne3A_754 = arith.cmpi ne, %rem3A_752, %ne3A_753 : i32
        %lt3A_755 = arith.constant 0 : i32
        %lt3A_756 = arith.cmpi slt, %rem3A_752, %lt3A_755 : i32
        %lt3A_757 = arith.constant 0 : i32
        %lt3A_758 = arith.cmpi slt, %select_n3A_751, %lt3A_757 : i32
        %ne3A_759 = arith.xori %lt3A_756, %lt3A_758 : i1
        %and3A_760 = arith.andi %ne3A_759, %ne3A_754 : i1
        %add3A_761 = arith.addi %rem3A_752, %select_n3A_751 : i32
        %select_n3A_762 = arith.select %and3A_760, %add3A_761, %rem3A_752 : i32
        %eq3A_763 = vector.broadcast %select_n3A_762 : i32 to vector<16xi32>
        %eq3A_764 = arith.cmpi eq, %iota3A, %eq3A_763 : vector<16xi32>
        %select_n3A_765 = arith.select %eq3A_764, %gather3A_742, %select_n3A_637 : vector<16xi1>, vector<16xf32>
        %mul3A_766 = arith.constant 1024 : i32
        %mul3A_767 = arith.muli %scan3A_255, %mul3A_766 : i32
        %add3A_768 = arith.addi %mul3A_223, %mul3A_767 : i32
        %sub3A_769 = arith.constant 1 : i32
        %sub3A_770 = arith.subi %sub3A_769, %select_n3A_71 : i32
        %mul3A_771 = arith.constant 1024 : i32
        %mul3A_772 = arith.muli %scan3A_255, %mul3A_771 : i32
        %sub3A_773 = arith.constant 1 : i32
        %sub3A_774 = arith.subi %sub3A_773, %select_n3A_71 : i32
        %dma_start3A_775 = tpu.memref_slice %arg5[%sub3A_770, %mul3A_772] : memref<2x32768xf32, #tpu.memory_space<vmem>> -> memref<1x1024xf32, #tpu.memory_space<vmem>>
        %dma_start3A_776 = tpu.memref_squeeze %dma_start3A_775 : memref<1x1024xf32, #tpu.memory_space<vmem>> -> memref<1024xf32, #tpu.memory_space<vmem>>
        %dma_start3A_777 = tpu.memref_slice %arg2[%add3A_205, %add3A_768] : memref<128x262144xf32, #tpu.memory_space<hbm>> -> memref<1x1024xf32, #tpu.memory_space<hbm>>
        %dma_start3A_778 = tpu.memref_squeeze %dma_start3A_777 : memref<1x1024xf32, #tpu.memory_space<hbm>> -> memref<1024xf32, #tpu.memory_space<hbm>>
        %dma_start3A_779 = tpu.memref_slice %arg9[%sub3A_774] : memref<2x!tpu.dma_semaphore, #tpu.memory_space<semaphore_mem>> -> memref<1x!tpu.dma_semaphore, #tpu.memory_space<semaphore_mem>>
        %dma_start3A_780 = tpu.memref_squeeze %dma_start3A_779 : memref<1x!tpu.dma_semaphore, #tpu.memory_space<semaphore_mem>> -> memref<!tpu.dma_semaphore, #tpu.memory_space<semaphore_mem>>
        %dma_start3A_781 = tpu.memref_slice %arg5[%sub3A_770, %mul3A_772] : memref<2x32768xf32, #tpu.memory_space<vmem>> -> memref<1x1024xf32, #tpu.memory_space<vmem>>
        %dma_start3A_782 = tpu.memref_squeeze %dma_start3A_781 : memref<1x1024xf32, #tpu.memory_space<vmem>> -> memref<1024xf32, #tpu.memory_space<vmem>>
        %dma_start3A_783 = tpu.memref_slice %arg2[%add3A_205, %add3A_768] : memref<128x262144xf32, #tpu.memory_space<hbm>> -> memref<1x1024xf32, #tpu.memory_space<hbm>>
        %dma_start3A_784 = tpu.memref_squeeze %dma_start3A_783 : memref<1x1024xf32, #tpu.memory_space<hbm>> -> memref<1024xf32, #tpu.memory_space<hbm>>
        tpu.enqueue_dma source(%dma_start3A_784 : memref<1024xf32, #tpu.memory_space<hbm>>) target(%dma_start3A_782 : memref<1024xf32, #tpu.memory_space<vmem>>) target_semaphore(%dma_start3A_780 : memref<!tpu.dma_semaphore, #tpu.memory_space<semaphore_mem>>)
        %jit3A_785 = arith.constant 4 : i32
        %div3A_786 = arith.divsi %scan3A_255, %jit3A_785 : i32
        %sign3A_787 = arith.constant 0 : i32
        %sign3A_788 = arith.cmpi sgt, %scan3A_255, %sign3A_787 : i32
        %sign3A_789 = arith.extui %sign3A_788 : i1 to i32
        %sign3A_790 = arith.constant 0 : i32
        %sign3A_791 = arith.cmpi slt, %scan3A_255, %sign3A_790 : i32
        %sign3A_792 = arith.extui %sign3A_791 : i1 to i32
        %sign3A_793 = arith.subi %sign3A_789, %sign3A_792 : i32
        %sign3A_794 = arith.constant 0 : i32
        %sign3A_795 = arith.cmpi sgt, %jit3A_785, %sign3A_794 : i32
        %sign3A_796 = arith.extui %sign3A_795 : i1 to i32
        %sign3A_797 = arith.constant 0 : i32
        %sign3A_798 = arith.cmpi slt, %jit3A_785, %sign3A_797 : i32
        %sign3A_799 = arith.extui %sign3A_798 : i1 to i32
        %sign3A_800 = arith.subi %sign3A_796, %sign3A_799 : i32
        %ne3A_801 = arith.cmpi ne, %sign3A_793, %sign3A_800 : i32
        %rem3A_802 = arith.remsi %scan3A_255, %jit3A_785 : i32
        %ne3A_803 = arith.constant 0 : i32
        %ne3A_804 = arith.cmpi ne, %rem3A_802, %ne3A_803 : i32
        %and3A_805 = arith.andi %ne3A_801, %ne3A_804 : i1
        %sub3A_806 = arith.constant 1 : i32
        %sub3A_807 = arith.subi %div3A_786, %sub3A_806 : i32
        %select_n3A_808 = arith.select %and3A_805, %sub3A_807, %div3A_786 : i32
        %swap3A = arith.index_cast %select_n3A_808 : i32 to index
        %swap3A_809 = arith.constant 0 : index
        %swap3A_810 = tpu.vector_load %arg6[%swap3A, %swap3A_809] {strides = array<i32>} : memref<8x16xf32, #tpu.memory_space<vmem>>, vector<16xf32>,
        tpu.vector_store %arg6[%swap3A, %swap3A_809], %select_n3A_765 {strides = array<i32>} : memref<8x16xf32, #tpu.memory_space<vmem>>, vector<16xf32>,
        scf.yield %select_n3A_765 : vector<16xf32>
      }
      %scan3A_229 = arith.constant 32 : i32
      %scan3A_230 = arith.constant 0 : i32
      %scan3A_231 = arith.constant 8 : i32
      %scan3A_232 = arith.addi %scan3A_230, %scan3A_231 : i32
      %scan3A_233 = arith.constant 1 : i32
      %scan3A_234:3 = scf.for %scan3A_255 = %scan3A_230 to %scan3A_232 step %scan3A_233 iter_args(%scan3A_256 = %select_n3A_147, %scan3A_257 = %select_n3A_150, %scan3A_258 = %select_n3A_153) -> (vector<16xf32>, vector<16xi32>, vector<16xf32>)  : i32 {
        %mul3A_259 = arith.constant 4096 : i32
        %mul3A_260 = arith.muli %scan3A_255, %mul3A_259 : i32
        %get3A = arith.index_cast %scan3A_255 : i32 to index
        %get3A_261 = arith.constant 0 : index
        %get3A_262 = tpu.vector_load %arg6[%get3A, %get3A_261] {strides = array<i32>} : memref<8x16xf32, #tpu.memory_space<vmem>>, vector<16xf32>,
        %ge3A = arith.cmpf oge, %get3A_262, %scan3A_258 : vector<16xf32>
        %all_reduce_population_count3A = tpu.all_reduce %ge3A {dim = 0 : i64, kind = #tpu.reduction_kind<sum>} : vector<16xi1> -> vector<16xi32>
        %slice3A = vector.extract_strided_slice %all_reduce_population_count3A {offsets = [0], sizes = [1], strides = [1]} : vector<16xi32> to vector<1xi32>
        %squeeze3A = vector.extract %slice3A[0] : i32 from vector<1xi32>
        %gt3A = arith.constant 0 : i32
        %gt3A_263 = arith.cmpi sgt, %squeeze3A, %gt3A : i32
        %convert_element_type3A_264 = arith.extui %gt3A_263 : i1 to i32
        %cond3A_265 = arith.constant 0 : i32
        %cond3A_266 = arith.cmpi ne, %convert_element_type3A_264, %cond3A_265 : i32
        %cond3A_267:3 = scf.if %cond3A_266 -> (vector<16xf32>, vector<16xi32>, vector<16xf32>) {
          %ge3A_268 = arith.cmpf oge, %get3A_262, %scan3A_258 : vector<16xf32>
          %while3A:4 = scf.while (%while3A_269 = %scan3A_256, %while3A_270 = %scan3A_257, %while3A_271 = %scan3A_258, %while3A_272 = %ge3A_268) : (vector<16xf32>, vector<16xi32>, vector<16xf32>, vector<16xi1>) -> (vector<16xf32>, vector<16xi32>, vector<16xf32>, vector<16xi1>) {
            %all_reduce_population_count3A_273 = tpu.all_reduce %while3A_272 {dim = 0 : i64, kind = #tpu.reduction_kind<sum>} : vector<16xi1> -> vector<16xi32>
            %slice3A_274 = vector.extract_strided_slice %all_reduce_population_count3A_273 {offsets = [0], sizes = [1], strides = [1]} : vector<16xi32> to vector<1xi32>
            %squeeze3A_275 = vector.extract %slice3A_274[0] : i32 from vector<1xi32>
            %gt3A_276 = arith.constant 0 : i32
            %gt3A_277 = arith.cmpi sgt, %squeeze3A_275, %gt3A_276 : i32
            scf.condition(%gt3A_277) %while3A_269, %while3A_270, %while3A_271, %while3A_272 : vector<16xf32>, vector<16xi32>, vector<16xf32>, vector<16xi1>
          } do {
          ^bb0(%while3A_269: vector<16xf32>, %while3A_270: vector<16xi32>, %while3A_271: vector<16xf32>, %while3A_272: vector<16xi1>):
            %all_reduce_ffs3A = tpu.all_reduce %while3A_272 {dim = 0 : i64, kind = #tpu.reduction_kind<find_first_set>} : vector<16xi1> -> vector<16xi32>
            %slice3A_273 = vector.extract_strided_slice %all_reduce_ffs3A {offsets = [0], sizes = [1], strides = [1]} : vector<16xi32> to vector<1xi32>
            %squeeze3A_274 = vector.extract %slice3A_273[0] : i32 from vector<1xi32>
            %mul3A_275 = arith.constant 256 : i32
            %mul3A_276 = arith.muli %squeeze3A_274, %mul3A_275 : i32
            %add3A_277 = arith.addi %mul3A_260, %mul3A_276 : i32
            %add3A_278 = arith.constant 0 : i32
            %add3A_279 = arith.addi %add3A_277, %add3A_278 : i32
            %get3A_280 = arith.index_cast %select_n3A_71 : i32 to index
            %get3A_281 = arith.index_cast %add3A_279 : i32 to index
            %get3A_282 = tpu.vector_load %arg5[%get3A_280, %get3A_281] {strides = array<i32>} : memref<2x32768xf32, #tpu.memory_space<vmem>>, vector<16xf32>,
            %add3A_283 = arith.constant 16 : i32
            %add3A_284 = arith.addi %add3A_277, %add3A_283 : i32
            %get3A_285 = arith.index_cast %select_n3A_71 : i32 to index
            %get3A_286 = arith.index_cast %add3A_284 : i32 to index
            %get3A_287 = tpu.vector_load %arg5[%get3A_285, %get3A_286] {strides = array<i32>} : memref<2x32768xf32, #tpu.memory_space<vmem>>, vector<16xf32>,
            %add3A_288 = arith.constant 32 : i32
            %add3A_289 = arith.addi %add3A_277, %add3A_288 : i32
            %get3A_290 = arith.index_cast %select_n3A_71 : i32 to index
            %get3A_291 = arith.index_cast %add3A_289 : i32 to index
            %get3A_292 = tpu.vector_load %arg5[%get3A_290, %get3A_291] {strides = array<i32>} : memref<2x32768xf32, #tpu.memory_space<vmem>>, vector<16xf32>,
            %add3A_293 = arith.constant 48 : i32
            %add3A_294 = arith.addi %add3A_277, %add3A_293 : i32
            %get3A_295 = arith.index_cast %select_n3A_71 : i32 to index
            %get3A_296 = arith.index_cast %add3A_294 : i32 to index
            %get3A_297 = tpu.vector_load %arg5[%get3A_295, %get3A_296] {strides = array<i32>} : memref<2x32768xf32, #tpu.memory_space<vmem>>, vector<16xf32>,
            %add3A_298 = arith.constant 64 : i32
            %add3A_299 = arith.addi %add3A_277, %add3A_298 : i32
            %get3A_300 = arith.index_cast %select_n3A_71 : i32 to index
            %get3A_301 = arith.index_cast %add3A_299 : i32 to index
            %get3A_302 = tpu.vector_load %arg5[%get3A_300, %get3A_301] {strides = array<i32>} : memref<2x32768xf32, #tpu.memory_space<vmem>>, vector<16xf32>,
            %add3A_303 = arith.constant 80 : i32
            %add3A_304 = arith.addi %add3A_277, %add3A_303 : i32
            %get3A_305 = arith.index_cast %select_n3A_71 : i32 to index
            %get3A_306 = arith.index_cast %add3A_304 : i32 to index
            %get3A_307 = tpu.vector_load %arg5[%get3A_305, %get3A_306] {strides = array<i32>} : memref<2x32768xf32, #tpu.memory_space<vmem>>, vector<16xf32>,
            %add3A_308 = arith.constant 96 : i32
            %add3A_309 = arith.addi %add3A_277, %add3A_308 : i32
            %get3A_310 = arith.index_cast %select_n3A_71 : i32 to index
            %get3A_311 = arith.index_cast %add3A_309 : i32 to index
            %get3A_312 = tpu.vector_load %arg5[%get3A_310, %get3A_311] {strides = array<i32>} : memref<2x32768xf32, #tpu.memory_space<vmem>>, vector<16xf32>,
            %add3A_313 = arith.constant 112 : i32
            %add3A_314 = arith.addi %add3A_277, %add3A_313 : i32
            %get3A_315 = arith.index_cast %select_n3A_71 : i32 to index
            %get3A_316 = arith.index_cast %add3A_314 : i32 to index
            %get3A_317 = tpu.vector_load %arg5[%get3A_315, %get3A_316] {strides = array<i32>} : memref<2x32768xf32, #tpu.memory_space<vmem>>, vector<16xf32>,
            %add3A_318 = arith.constant 128 : i32
            %add3A_319 = arith.addi %add3A_277, %add3A_318 : i32
            %get3A_320 = arith.index_cast %select_n3A_71 : i32 to index
            %get3A_321 = arith.index_cast %add3A_319 : i32 to index
            %get3A_322 = tpu.vector_load %arg5[%get3A_320, %get3A_321] {strides = array<i32>} : memref<2x32768xf32, #tpu.memory_space<vmem>>, vector<16xf32>,
            %add3A_323 = arith.constant 144 : i32
            %add3A_324 = arith.addi %add3A_277, %add3A_323 : i32
            %get3A_325 = arith.index_cast %select_n3A_71 : i32 to index
            %get3A_326 = arith.index_cast %add3A_324 : i32 to index
            %get3A_327 = tpu.vector_load %arg5[%get3A_325, %get3A_326] {strides = array<i32>} : memref<2x32768xf32, #tpu.memory_space<vmem>>, vector<16xf32>,
            %add3A_328 = arith.constant 160 : i32
            %add3A_329 = arith.addi %add3A_277, %add3A_328 : i32
            %get3A_330 = arith.index_cast %select_n3A_71 : i32 to index
            %get3A_331 = arith.index_cast %add3A_329 : i32 to index
            %get3A_332 = tpu.vector_load %arg5[%get3A_330, %get3A_331] {strides = array<i32>} : memref<2x32768xf32, #tpu.memory_space<vmem>>, vector<16xf32>,
            %add3A_333 = arith.constant 176 : i32
            %add3A_334 = arith.addi %add3A_277, %add3A_333 : i32
            %get3A_335 = arith.index_cast %select_n3A_71 : i32 to index
            %get3A_336 = arith.index_cast %add3A_334 : i32 to index
            %get3A_337 = tpu.vector_load %arg5[%get3A_335, %get3A_336] {strides = array<i32>} : memref<2x32768xf32, #tpu.memory_space<vmem>>, vector<16xf32>,
            %add3A_338 = arith.constant 192 : i32
            %add3A_339 = arith.addi %add3A_277, %add3A_338 : i32
            %get3A_340 = arith.index_cast %select_n3A_71 : i32 to index
            %get3A_341 = arith.index_cast %add3A_339 : i32 to index
            %get3A_342 = tpu.vector_load %arg5[%get3A_340, %get3A_341] {strides = array<i32>} : memref<2x32768xf32, #tpu.memory_space<vmem>>, vector<16xf32>,
            %add3A_343 = arith.constant 208 : i32
            %add3A_344 = arith.addi %add3A_277, %add3A_343 : i32
            %get3A_345 = arith.index_cast %select_n3A_71 : i32 to index
            %get3A_346 = arith.index_cast %add3A_344 : i32 to index
            %get3A_347 = tpu.vector_load %arg5[%get3A_345, %get3A_346] {strides = array<i32>} : memref<2x32768xf32, #tpu.memory_space<vmem>>, vector<16xf32>,
            %add3A_348 = arith.constant 224 : i32
            %add3A_349 = arith.addi %add3A_277, %add3A_348 : i32
            %get3A_350 = arith.index_cast %select_n3A_71 : i32 to index
            %get3A_351 = arith.index_cast %add3A_349 : i32 to index
            %get3A_352 = tpu.vector_load %arg5[%get3A_350, %get3A_351] {strides = array<i32>} : memref<2x32768xf32, #tpu.memory_space<vmem>>, vector<16xf32>,
            %add3A_353 = arith.constant 240 : i32
            %add3A_354 = arith.addi %add3A_277, %add3A_353 : i32
            %get3A_355 = arith.index_cast %select_n3A_71 : i32 to index
            %get3A_356 = arith.index_cast %add3A_354 : i32 to index
            %get3A_357 = tpu.vector_load %arg5[%get3A_355, %get3A_356] {strides = array<i32>} : memref<2x32768xf32, #tpu.memory_space<vmem>>, vector<16xf32>,
            %max3A_358 = arith.maximumf %get3A_282, %get3A_287 : vector<16xf32>
            %max3A_359 = arith.maximumf %get3A_292, %get3A_297 : vector<16xf32>
            %max3A_360 = arith.maximumf %get3A_302, %get3A_307 : vector<16xf32>
            %max3A_361 = arith.maximumf %get3A_312, %get3A_317 : vector<16xf32>
            %max3A_362 = arith.maximumf %get3A_322, %get3A_327 : vector<16xf32>
            %max3A_363 = arith.maximumf %get3A_332, %get3A_337 : vector<16xf32>
            %max3A_364 = arith.maximumf %get3A_342, %get3A_347 : vector<16xf32>
            %max3A_365 = arith.maximumf %get3A_352, %get3A_357 : vector<16xf32>
            %max3A_366 = arith.maximumf %max3A_358, %max3A_359 : vector<16xf32>
            %max3A_367 = arith.maximumf %max3A_360, %max3A_361 : vector<16xf32>
            %max3A_368 = arith.maximumf %max3A_362, %max3A_363 : vector<16xf32>
            %max3A_369 = arith.maximumf %max3A_364, %max3A_365 : vector<16xf32>
            %max3A_370 = arith.maximumf %max3A_366, %max3A_367 : vector<16xf32>
            %max3A_371 = arith.maximumf %max3A_368, %max3A_369 : vector<16xf32>
            %max3A_372 = arith.maximumf %max3A_370, %max3A_371 : vector<16xf32>
            %ge3A_373 = arith.cmpf oge, %max3A_372, %while3A_271 : vector<16xf32>
            %while3A_374:4 = scf.while (%while3A_379 = %while3A_269, %while3A_380 = %while3A_270, %while3A_381 = %while3A_271, %while3A_382 = %ge3A_373) : (vector<16xf32>, vector<16xi32>, vector<16xf32>, vector<16xi1>) -> (vector<16xf32>, vector<16xi32>, vector<16xf32>, vector<16xi1>) {
              %all_reduce_population_count3A_383 = tpu.all_reduce %while3A_382 {dim = 0 : i64, kind = #tpu.reduction_kind<sum>} : vector<16xi1> -> vector<16xi32>
              %slice3A_384 = vector.extract_strided_slice %all_reduce_population_count3A_383 {offsets = [0], sizes = [1], strides = [1]} : vector<16xi32> to vector<1xi32>
              %squeeze3A_385 = vector.extract %slice3A_384[0] : i32 from vector<1xi32>
              %gt3A_386 = arith.constant 0 : i32
              %gt3A_387 = arith.cmpi sgt, %squeeze3A_385, %gt3A_386 : i32
              scf.condition(%gt3A_387) %while3A_379, %while3A_380, %while3A_381, %while3A_382 : vector<16xf32>, vector<16xi32>, vector<16xf32>, vector<16xi1>
            } do {
            ^bb0(%while3A_379: vector<16xf32>, %while3A_380: vector<16xi32>, %while3A_381: vector<16xf32>, %while3A_382: vector<16xi1>):
              %all_reduce_ffs3A_383 = tpu.all_reduce %while3A_382 {dim = 0 : i64, kind = #tpu.reduction_kind<find_first_set>} : vector<16xi1> -> vector<16xi32>
              %add3A_384 = vector.broadcast %add3A_277 : i32 to vector<16xi32>
              %add3A_385 = arith.addi %add3A_384, %all_reduce_ffs3A_383 : vector<16xi32>
              %mul3A_386 = arith.constant 16 : i32
              %mul3A_387 = vector.broadcast %mul3A_386 : i32 to vector<16xi32>
              %mul3A_388 = arith.muli %iota3A, %mul3A_387 : vector<16xi32>
              %add3A_389 = arith.addi %add3A_385, %mul3A_388 : vector<16xi32>
              %gather3A = tpu.vector_load_idx %arg5[%add3A_175, %add3A_389] : memref<2x32768xf32, #tpu.memory_space<vmem>>[vector<16xi32>, vector<16xi32>], vector<16xf32>,
              %add3A_390 = vector.broadcast %mul3A_171 : i32 to vector<16xi32>
              %add3A_391 = arith.addi %add3A_390, %add3A_389 : vector<16xi32>
              %broadcast_in_dim3A_392 = vector.shape_cast %broadcast_in_dim3A_5 : vector<16xi32> to vector<16x1xi32>
              %gather3A_393 = vector.shape_cast %broadcast_in_dim3A_392 : vector<16x1xi32> to vector<16xi32>
              %gather3A_394 = tpu.dynamic_gather %while3A_380[%gather3A_393] in [0] : vector<16xi32>, vector<16xi32> -> vector<16xi32>
              %gt3A_395 = arith.cmpf ogt, %gather3A, %while3A_381 : vector<16xf32>
              %eq3A_396 = arith.cmpf oeq, %gather3A, %while3A_381 : vector<16xf32>
              %lt3A_397 = arith.cmpi slt, %add3A_391, %gather3A_394 : vector<16xi32>
              %and3A_398 = arith.andi %eq3A_396, %lt3A_397 : vector<16xi1>
              %or3A = arith.ori %gt3A_395, %and3A_398 : vector<16xi1>
              %while3A_399:4 = scf.while (%while3A_404 = %while3A_379, %while3A_405 = %while3A_380, %while3A_406 = %while3A_381, %while3A_407 = %or3A) : (vector<16xf32>, vector<16xi32>, vector<16xf32>, vector<16xi1>) -> (vector<16xf32>, vector<16xi32>, vector<16xf32>, vector<16xi1>) {
                %all_reduce_population_count3A_408 = tpu.all_reduce %while3A_407 {dim = 0 : i64, kind = #tpu.reduction_kind<sum>} : vector<16xi1> -> vector<16xi32>
                %slice3A_409 = vector.extract_strided_slice %all_reduce_population_count3A_408 {offsets = [0], sizes = [1], strides = [1]} : vector<16xi32> to vector<1xi32>
                %squeeze3A_410 = vector.extract %slice3A_409[0] : i32 from vector<1xi32>
                %gt3A_411 = arith.constant 0 : i32
                %gt3A_412 = arith.cmpi sgt, %squeeze3A_410, %gt3A_411 : i32
                scf.condition(%gt3A_412) %while3A_404, %while3A_405, %while3A_406, %while3A_407 : vector<16xf32>, vector<16xi32>, vector<16xf32>, vector<16xi1>
              } do {
              ^bb0(%while3A_404: vector<16xf32>, %while3A_405: vector<16xi32>, %while3A_406: vector<16xf32>, %while3A_407: vector<16xi1>):
                %all_reduce_ffs3A_408 = tpu.all_reduce %while3A_407 {dim = 0 : i64, kind = #tpu.reduction_kind<find_first_set>} : vector<16xi1> -> vector<16xi32>
                %broadcast_in_dim3A_409 = vector.shape_cast %all_reduce_ffs3A_408 : vector<16xi32> to vector<16x1xi32>
                %gather3A_410 = vector.shape_cast %broadcast_in_dim3A_409 : vector<16x1xi32> to vector<16xi32>
                %gather3A_411 = tpu.dynamic_gather %gather3A[%gather3A_410] in [0] : vector<16xf32>, vector<16xi32> -> vector<16xf32>
                %broadcast_in_dim3A_412 = vector.shape_cast %all_reduce_ffs3A_408 : vector<16xi32> to vector<16x1xi32>
                %gather3A_413 = vector.shape_cast %broadcast_in_dim3A_412 : vector<16x1xi32> to vector<16xi32>
                %gather3A_414 = tpu.dynamic_gather %add3A_391[%gather3A_413] in [0] : vector<16xi32>, vector<16xi32> -> vector<16xi32>
                %gt3A_415 = arith.cmpf ogt, %while3A_404, %gather3A_411 : vector<16xf32>
                %eq3A_416 = arith.cmpf oeq, %while3A_404, %gather3A_411 : vector<16xf32>
                %lt3A_417 = arith.cmpi slt, %while3A_405, %gather3A_414 : vector<16xi32>
                %and3A_418 = arith.andi %eq3A_416, %lt3A_417 : vector<16xi1>
                %or3A_419 = arith.ori %gt3A_415, %and3A_418 : vector<16xi1>
                %all_reduce_population_count3A_420 = tpu.all_reduce %or3A_419 {dim = 0 : i64, kind = #tpu.reduction_kind<sum>} : vector<16xi1> -> vector<16xi32>
                %broadcast_in_dim3A_421 = vector.shape_cast %max3A_4 : vector<16xi32> to vector<16x1xi32>
                %gather3A_422 = vector.shape_cast %broadcast_in_dim3A_421 : vector<16x1xi32> to vector<16xi32>
                %gather3A_423 = tpu.dynamic_gather %while3A_404[%gather3A_422] in [0] : vector<16xf32>, vector<16xi32> -> vector<16xf32>
                %broadcast_in_dim3A_424 = vector.shape_cast %max3A_4 : vector<16xi32> to vector<16x1xi32>
                %gather3A_425 = vector.shape_cast %broadcast_in_dim3A_424 : vector<16x1xi32> to vector<16xi32>
                %gather3A_426 = tpu.dynamic_gather %while3A_405[%gather3A_425] in [0] : vector<16xi32>, vector<16xi32> -> vector<16xi32>
                %lt3A_427 = arith.cmpi slt, %iota3A, %all_reduce_population_count3A_420 : vector<16xi32>
                %eq3A_428 = arith.cmpi eq, %iota3A, %all_reduce_population_count3A_420 : vector<16xi32>
                %select_n3A_429 = arith.select %eq3A_428, %gather3A_411, %gather3A_423 : vector<16xi1>, vector<16xf32>
                %select_n3A_430 = arith.select %lt3A_427, %while3A_404, %select_n3A_429 : vector<16xi1>, vector<16xf32>
                %lt3A_431 = arith.cmpi slt, %iota3A, %all_reduce_population_count3A_420 : vector<16xi32>
                %eq3A_432 = arith.cmpi eq, %iota3A, %all_reduce_population_count3A_420 : vector<16xi32>
                %select_n3A_433 = arith.select %eq3A_432, %gather3A_414, %gather3A_426 : vector<16xi1>, vector<16xi32>
                %select_n3A_434 = arith.select %lt3A_431, %while3A_405, %select_n3A_433 : vector<16xi1>, vector<16xi32>
                %broadcast_in_dim3A_435 = vector.shape_cast %broadcast_in_dim3A_5 : vector<16xi32> to vector<16x1xi32>
                %gather3A_436 = vector.shape_cast %broadcast_in_dim3A_435 : vector<16x1xi32> to vector<16xi32>
                %gather3A_437 = tpu.dynamic_gather %select_n3A_430[%gather3A_436] in [0] : vector<16xf32>, vector<16xi32> -> vector<16xf32>
                %broadcast_in_dim3A_438 = vector.shape_cast %broadcast_in_dim3A_5 : vector<16xi32> to vector<16x1xi32>
                %gather3A_439 = vector.shape_cast %broadcast_in_dim3A_438 : vector<16x1xi32> to vector<16xi32>
                %gather3A_440 = tpu.dynamic_gather %select_n3A_434[%gather3A_439] in [0] : vector<16xi32>, vector<16xi32> -> vector<16xi32>
                %ne3A_441 = arith.cmpi ne, %iota3A, %all_reduce_ffs3A_408 : vector<16xi32>
                %and3A_442 = arith.andi %while3A_407, %ne3A_441 : vector<16xi1>
                %gt3A_443 = arith.cmpf ogt, %gather3A, %gather3A_437 : vector<16xf32>
                %eq3A_444 = arith.cmpf oeq, %gather3A, %gather3A_437 : vector<16xf32>
                %lt3A_445 = arith.cmpi slt, %add3A_391, %gather3A_440 : vector<16xi32>
                %and3A_446 = arith.andi %eq3A_444, %lt3A_445 : vector<16xi1>
                %or3A_447 = arith.ori %gt3A_443, %and3A_446 : vector<16xi1>
                %and3A_448 = arith.andi %and3A_442, %or3A_447 : vector<16xi1>
                scf.yield %select_n3A_430, %select_n3A_434, %gather3A_437, %and3A_448 : vector<16xf32>, vector<16xi32>, vector<16xf32>, vector<16xi1>
              }
              %ne3A_400 = arith.cmpi ne, %iota3A, %all_reduce_ffs3A_383 : vector<16xi32>
              %and3A_401 = arith.andi %while3A_382, %ne3A_400 : vector<16xi1>
              %ge3A_402 = arith.cmpf oge, %max3A_372, %while3A_399#2 : vector<16xf32>
              %and3A_403 = arith.andi %and3A_401, %ge3A_402 : vector<16xi1>
              scf.yield %while3A_399#0, %while3A_399#1, %while3A_399#2, %and3A_403 : vector<16xf32>, vector<16xi32>, vector<16xf32>, vector<16xi1>
            }
            %ne3A_375 = arith.cmpi ne, %iota3A, %all_reduce_ffs3A : vector<16xi32>
            %and3A_376 = arith.andi %while3A_272, %ne3A_375 : vector<16xi1>
            %ge3A_377 = arith.cmpf oge, %get3A_262, %while3A_374#2 : vector<16xf32>
            %and3A_378 = arith.andi %and3A_376, %ge3A_377 : vector<16xi1>
            scf.yield %while3A_374#0, %while3A_374#1, %while3A_374#2, %and3A_378 : vector<16xf32>, vector<16xi32>, vector<16xf32>, vector<16xi1>
          }
          scf.yield %while3A#0, %while3A#1, %while3A#2 : vector<16xf32>, vector<16xi32>, vector<16xf32>
        } else {
          scf.yield %scan3A_256, %scan3A_257, %scan3A_258 : vector<16xf32>, vector<16xi32>, vector<16xf32>
        }
        scf.yield %cond3A_267#0, %cond3A_267#1, %cond3A_267#2 : vector<16xf32>, vector<16xi32>, vector<16xf32>
      }
      %scan3A_235 = arith.constant 8 : i32
      %jit3A_236 = arith.constant 8 : i32
      %eq3A_237 = arith.constant 0 : i32
      %eq3A_238 = arith.cmpi eq, %jit3A_236, %eq3A_237 : i32
      %jit3A_239 = arith.constant 1 : i32
      %select_n3A_240 = arith.select %eq3A_238, %jit3A_239, %jit3A_236 : i32
      %rem3A_241 = arith.remsi %scan3A_59, %select_n3A_240 : i32
      %ne3A_242 = arith.constant 0 : i32
      %ne3A_243 = arith.cmpi ne, %rem3A_241, %ne3A_242 : i32
      %lt3A_244 = arith.constant 0 : i32
      %lt3A_245 = arith.cmpi slt, %rem3A_241, %lt3A_244 : i32
      %lt3A_246 = arith.constant 0 : i32
      %lt3A_247 = arith.cmpi slt, %select_n3A_240, %lt3A_246 : i32
      %ne3A_248 = arith.xori %lt3A_245, %lt3A_247 : i1
      %and3A_249 = arith.andi %ne3A_248, %ne3A_243 : i1
      %add3A_250 = arith.addi %rem3A_241, %select_n3A_240 : i32
      %select_n3A_251 = arith.select %and3A_249, %add3A_250, %rem3A_241 : i32
      %eq3A_252 = arith.constant 7 : i32
      %eq3A_253 = arith.cmpi eq, %select_n3A_251, %eq3A_252 : i32
      %convert_element_type3A = arith.extui %eq3A_253 : i1 to i32
      %cond3A = arith.constant 0 : i32
      %cond3A_254 = arith.cmpi ne, %convert_element_type3A, %cond3A : i32
      scf.if %cond3A_254 {
        %jit3A_255 = arith.constant 8 : i32
        %div3A_256 = arith.divsi %scan3A_59, %jit3A_255 : i32
        %sign3A_257 = arith.constant 0 : i32
        %sign3A_258 = arith.cmpi sgt, %scan3A_59, %sign3A_257 : i32
        %sign3A_259 = arith.extui %sign3A_258 : i1 to i32
        %sign3A_260 = arith.constant 0 : i32
        %sign3A_261 = arith.cmpi slt, %scan3A_59, %sign3A_260 : i32
        %sign3A_262 = arith.extui %sign3A_261 : i1 to i32
        %sign3A_263 = arith.subi %sign3A_259, %sign3A_262 : i32
        %sign3A_264 = arith.constant 0 : i32
        %sign3A_265 = arith.cmpi sgt, %jit3A_255, %sign3A_264 : i32
        %sign3A_266 = arith.extui %sign3A_265 : i1 to i32
        %sign3A_267 = arith.constant 0 : i32
        %sign3A_268 = arith.cmpi slt, %jit3A_255, %sign3A_267 : i32
        %sign3A_269 = arith.extui %sign3A_268 : i1 to i32
        %sign3A_270 = arith.subi %sign3A_266, %sign3A_269 : i32
        %ne3A_271 = arith.cmpi ne, %sign3A_263, %sign3A_270 : i32
        %rem3A_272 = arith.remsi %scan3A_59, %jit3A_255 : i32
        %ne3A_273 = arith.constant 0 : i32
        %ne3A_274 = arith.cmpi ne, %rem3A_272, %ne3A_273 : i32
        %and3A_275 = arith.andi %ne3A_271, %ne3A_274 : i1
        %sub3A_276 = arith.constant 1 : i32
        %sub3A_277 = arith.subi %div3A_256, %sub3A_276 : i32
        %select_n3A_278 = arith.select %and3A_275, %sub3A_277, %div3A_256 : i32
        %swap3A = arith.index_cast %select_n3A_278 : i32 to index
        %swap3A_279 = arith.constant 0 : index
        %swap3A_280 = tpu.vector_load %arg7[%swap3A, %swap3A_279] {strides = array<i32>} : memref<4x16xf32, #tpu.memory_space<vmem>>, vector<16xf32>,
        tpu.vector_store %arg7[%swap3A, %swap3A_279], %scan3A_234#0 {strides = array<i32>} : memref<4x16xf32, #tpu.memory_space<vmem>>, vector<16xf32>,
        %swap3A_281 = arith.index_cast %select_n3A_278 : i32 to index
        %swap3A_282 = arith.constant 0 : index
        %swap3A_283 = tpu.vector_load %arg8[%swap3A_281, %swap3A_282] {strides = array<i32>} : memref<4x16xi32, #tpu.memory_space<vmem>>, vector<16xi32>,
        tpu.vector_store %arg8[%swap3A_281, %swap3A_282], %scan3A_234#1 {strides = array<i32>} : memref<4x16xi32, #tpu.memory_space<vmem>>, vector<16xi32>,
      } else {
      }
      scf.yield %scan3A_234#0, %scan3A_234#1, %scan3A_234#2 : vector<16xf32>, vector<16xi32>, vector<16xf32>
    }
    %scan3A_37 = arith.constant 32 : i32
    %mul3A_38 = arith.constant 4 : i32
    %mul3A_39 = arith.muli %add3A, %mul3A_38 : i32
    %add3A_40 = arith.constant 3 : i32
    %add3A_41 = arith.addi %mul3A_39, %add3A_40 : i32
    %dma_wait3A = arith.constant 0 : i32
    %dma_wait3A_42 = arith.constant 0 : i32
    %dma_wait3A_43 = arith.constant 0 : i32
    %dma_wait3A_44 = tpu.memref_slice %arg5[%dma_wait3A, %dma_wait3A_43] : memref<2x32768xf32, #tpu.memory_space<vmem>> -> memref<1x32768xf32, #tpu.memory_space<vmem>>
    %dma_wait3A_45 = tpu.memref_squeeze %dma_wait3A_44 : memref<1x32768xf32, #tpu.memory_space<vmem>> -> memref<32768xf32, #tpu.memory_space<vmem>>
    %dma_wait3A_46 = arith.constant 229376 : i32
    %dma_wait3A_47 = tpu.memref_slice %arg2[%add3A_41, %dma_wait3A_46] : memref<128x262144xf32, #tpu.memory_space<hbm>> -> memref<1x32768xf32, #tpu.memory_space<hbm>>
    %dma_wait3A_48 = tpu.memref_squeeze %dma_wait3A_47 : memref<1x32768xf32, #tpu.memory_space<hbm>> -> memref<32768xf32, #tpu.memory_space<hbm>>
    %dma_wait3A_49 = tpu.memref_slice %arg9[%dma_wait3A_42] : memref<2x!tpu.dma_semaphore, #tpu.memory_space<semaphore_mem>> -> memref<1x!tpu.dma_semaphore, #tpu.memory_space<semaphore_mem>>
    %dma_wait3A_50 = tpu.memref_squeeze %dma_wait3A_49 : memref<1x!tpu.dma_semaphore, #tpu.memory_space<semaphore_mem>> -> memref<!tpu.dma_semaphore, #tpu.memory_space<semaphore_mem>>
    %dma_wait3A_51 = arith.constant 0 : i32
    %dma_wait3A_52 = tpu.memref_slice %arg5[%dma_wait3A, %dma_wait3A_51] : memref<2x32768xf32, #tpu.memory_space<vmem>> -> memref<1x32768xf32, #tpu.memory_space<vmem>>
    %dma_wait3A_53 = tpu.memref_squeeze %dma_wait3A_52 : memref<1x32768xf32, #tpu.memory_space<vmem>> -> memref<32768xf32, #tpu.memory_space<vmem>>
    %dma_wait3A_54 = arith.constant 229376 : i32
    %dma_wait3A_55 = tpu.memref_slice %arg2[%add3A_41, %dma_wait3A_54] : memref<128x262144xf32, #tpu.memory_space<hbm>> -> memref<1x32768xf32, #tpu.memory_space<hbm>>
    %dma_wait3A_56 = tpu.memref_squeeze %dma_wait3A_55 : memref<1x32768xf32, #tpu.memory_space<hbm>> -> memref<32768xf32, #tpu.memory_space<hbm>>
    tpu.wait_dma2 semaphore(%dma_wait3A_50 : memref<!tpu.dma_semaphore, #tpu.memory_space<semaphore_mem>>) src(%dma_wait3A_56 : memref<32768xf32, #tpu.memory_space<hbm>>) dst(%dma_wait3A_53 : memref<32768xf32, #tpu.memory_space<vmem>>)
    %mul3A_57 = arith.constant 4 : i32
    %mul3A_58 = arith.muli %add3A, %mul3A_57 : i32
    %multiple_of3A = tpu.assume_multiple %mul3A_58, 4 : i32
    "tpu.region"() ({
      %run_scoped3A = tpu.sem_alloc : memref<!tpu.dma_semaphore, #tpu.memory_space<semaphore_mem>>
      %dma_start3A_59 = arith.constant 0 : i32
      %dma_start3A_60 = tpu.memref_slice %arg3[%multiple_of3A, %dma_start3A_59] : memref<128x16xf32, #tpu.memory_space<hbm>> -> memref<4x16xf32, #tpu.memory_space<hbm>>
      %dma_start3A_61 = arith.constant 0 : i32
      %dma_start3A_62 = tpu.memref_slice %arg3[%multiple_of3A, %dma_start3A_61] : memref<128x16xf32, #tpu.memory_space<hbm>> -> memref<4x16xf32, #tpu.memory_space<hbm>>
      tpu.enqueue_dma source(%arg7 : memref<4x16xf32, #tpu.memory_space<vmem>>) target(%dma_start3A_62 : memref<4x16xf32, #tpu.memory_space<hbm>>) target_semaphore(%run_scoped3A : memref<!tpu.dma_semaphore, #tpu.memory_space<semaphore_mem>>)
      %dma_wait3A_63 = arith.constant 0 : i32
      %dma_wait3A_64 = tpu.memref_slice %arg3[%multiple_of3A, %dma_wait3A_63] : memref<128x16xf32, #tpu.memory_space<hbm>> -> memref<4x16xf32, #tpu.memory_space<hbm>>
      %dma_wait3A_65 = arith.constant 0 : i32
      %dma_wait3A_66 = tpu.memref_slice %arg3[%multiple_of3A, %dma_wait3A_65] : memref<128x16xf32, #tpu.memory_space<hbm>> -> memref<4x16xf32, #tpu.memory_space<hbm>>
      tpu.wait_dma2 semaphore(%run_scoped3A : memref<!tpu.dma_semaphore, #tpu.memory_space<semaphore_mem>>) src(%arg7 : memref<4x16xf32, #tpu.memory_space<vmem>>) dst(%dma_wait3A_66 : memref<4x16xf32, #tpu.memory_space<hbm>>)
      tpu.yield
    }) : () -> ()
    "tpu.region"() ({
      %run_scoped3A = tpu.sem_alloc : memref<!tpu.dma_semaphore, #tpu.memory_space<semaphore_mem>>
      %dma_start3A_59 = arith.constant 0 : i32
      %dma_start3A_60 = tpu.memref_slice %arg4[%multiple_of3A, %dma_start3A_59] : memref<128x16xi32, #tpu.memory_space<hbm>> -> memref<4x16xi32, #tpu.memory_space<hbm>>
      %dma_start3A_61 = arith.constant 0 : i32
      %dma_start3A_62 = tpu.memref_slice %arg4[%multiple_of3A, %dma_start3A_61] : memref<128x16xi32, #tpu.memory_space<hbm>> -> memref<4x16xi32, #tpu.memory_space<hbm>>
      tpu.enqueue_dma source(%arg8 : memref<4x16xi32, #tpu.memory_space<vmem>>) target(%dma_start3A_62 : memref<4x16xi32, #tpu.memory_space<hbm>>) target_semaphore(%run_scoped3A : memref<!tpu.dma_semaphore, #tpu.memory_space<semaphore_mem>>)
      %dma_wait3A_63 = arith.constant 0 : i32
      %dma_wait3A_64 = tpu.memref_slice %arg4[%multiple_of3A, %dma_wait3A_63] : memref<128x16xi32, #tpu.memory_space<hbm>> -> memref<4x16xi32, #tpu.memory_space<hbm>>
      %dma_wait3A_65 = arith.constant 0 : i32
      %dma_wait3A_66 = tpu.memref_slice %arg4[%multiple_of3A, %dma_wait3A_65] : memref<128x16xi32, #tpu.memory_space<hbm>> -> memref<4x16xi32, #tpu.memory_space<hbm>>
      tpu.wait_dma2 semaphore(%run_scoped3A : memref<!tpu.dma_semaphore, #tpu.memory_space<semaphore_mem>>) src(%arg8 : memref<4x16xi32, #tpu.memory_space<vmem>>) dst(%dma_wait3A_66 : memref<4x16xi32, #tpu.memory_space<hbm>>)
      tpu.yield
    }) : () -> ()
    return
  }
}

</mosaic_0001>

<sc_bundles>
// kernel: kernel.3.cloned.1.call-start
scs
__scs_entry_jumppad:
0x0: {  	(pc) =	sbr.rel $0x88, $3  }
0x1: {  	(tag) =	ssettag $0x0;
	lr =	simm.s32 $0x1  }
0x2: {  	[smem:$0x3F9D] =	sst lr;
	_ =	strace $0xD0000000  }
0x3: {  	_ = 	snop  }
0x4: {  	_ = 	snop  }
0x5: {  	_ = 	snop  }
0x6: {  	_ = 	snop  }
0x7: {  	_ = 	snop  }
__scs_overlays_trampoline_lowered:
0x8: {  	[smem:$0x3FAC] =	sst s0  }
0x9: {  	[smem:$0x3FAD] =	sst s1  }
0xa: {  	[smem:$0x3FAE] =	sst s2  }
0xb: {  	[smem:$0x3FAF] =	sst s3  }
0xc: {  	[smem:$0x3FB0] =	sst s4  }
0xd: {  	[smem:$0x3FB1] =	sst s5  }
0xe: {  	[smem:$0x3FB2] =	sst s6  }
0xf: {  	[smem:$0x3FB3] =	sst s7  }
0x10: {  	[smem:$0x3FB4] =	sst s8  }
0x11: {  	[smem:$0x3FB5] =	sst s9;
	s0 =	simm.s32 @!p0 $0x0  }
0x12: {  	s1 =	sld [smem:$0x3F9B];
	s0 =	simm.s32 @p0 $0x1  }
0x13: {  	[smem:$0x3FB6] =	sst s0;
	s0 =	simm.s32 @!p1 $0x0  }
0x14: {  	s2 =	sld [smem:$0x3F9A];
	s0 =	simm.s32 @p1 $0x1  }
0x15: {  	[smem:$0x3FB7] =	sst s0;
	s0 =	simm.s32 @!p2 $0x0  }
0x16: {  	s3 =	sld [smem:$0x3FDB];
	s0 =	simm.s32 @p2 $0x1  }
0x17: {  	s4 =	simm.s32 $0x1BF5;
	[smem:$0x3FB9] =	sst s0  }
0x18: {  	s0 =	sld [smem:$0x3F9C];
	_ =	swait.ge [sflag:s4], $0x0  }
0x19: {  	s7 =	sld [smem:$0x3F9D]  }
0x1a: {  	s8 =	sadd.s32 $0xFFFFE003, lr  }
0x1b: {  	s9 =	sadd.s32 $0xFFFFFEF7, lr;
	s5 =	simm.s32 $0xFFFFFFFF;
	p2 =	slt.u32 s8, $0xFFFFF086  }
0x1c: {  	p1 =	slt.u32 s9, $0xF7A;
	s5 =	simm.s32 @!p2 $0x0  }
0x1d: {  	s5 =	simm.s32 @p1 $0x1;
	p0 =	seq.s32 s7, s2  }
0x1e: {  	s7 =	smul.u32 @!p0 $0xF7A, s2;
	p2 =	seq.s32 @!p0 s5, $0x0  }
0x1f: {  	s9 =	smul.u32 $0xF7A, s1;
	s8 =	simm.s32 @!p0 $0x1BF5;
	p2 =	por !p2, p0  }
0x20: {  	[sflag:s8] =	ssyncset.s32 @!p0 $0xFFFFF086;
	s6 =	sadd.s32 @!p0 s3, s7;
	s7 =	simm.s32 @!p0 $0x108  }
0x21: {  	s3 =	sadd.s32 s3, s9;
	s6 =	sadd.s32 @!p0 $0x88, s6;
	s7 =	simm.s32 @p2 $0x1082  }
0x22: {  	[simem:s7], [sflag:s8] =	dma.local @!p0 [hbm:s6], $0xF7A  }
0x23: {  	s9 =	sor.u32 $0xD0000000, s2;
	s6 =	simm.s32 $0x108;
	_ =	swait.ge @!p0 [sflag:s8], $0x0  }
0x24: {  	s3 =	sadd.s32 $0x88, s3;
	s6 =	simm.s32 @!p1 $0x1082;
	[sflag:s4] =	ssyncset.s32 $0xFFFFF086  }
0x25: {  	[simem:s6], [sflag:s4] =	dma.local [hbm:s3], $0xF7A  }
0x26: {  	[smem:$0x3F9D] =	sst s1;
	(tag) =	ssettag s2;
	_ =	strace s9  }
0x27: {  	s1 =	sld [smem:$0x3FAD]  }
0x28: {  	s2 =	sld [smem:$0x3FAE]  }
0x29: {  	s4 =	sld [smem:$0x3FB0]  }
0x2a: {  	p0 =	seq.s32 s5, $0x0;
	s5 =	sld [smem:$0x3FB1]  }
0x2b: {  	s6 =	sld [smem:$0x3FB2]  }
0x2c: {  	s7 =	sld [smem:$0x3FB3]  }
0x2d: {  	s3 =	simm.s32 $0x108;
	s8 =	sld [smem:$0x3FB4]  }
0x2e: {  	s3 =	simm.s32 @!p0 $0x1082;
	s9 =	sld [smem:$0x3FB5]  }
0x2f: {  	lr =	sadd.s32 s0, s3;
	s0 =	sld [smem:$0x3FAC]  }
0x30: {  	s3 =	sld [smem:$0x3FAF]  }
0x31: {  	[smem:$0x3FB8] =	sst s10  }
0x32: {  	s10 =	sld [smem:$0x3FB6];
	_ =	sdelay $0x3  }
0x33: {  	p0 =	seq.s32 s10, $0x1;
	s10 =	sld [smem:$0x3FB8];
	_ =	sdelay $0x3  }
0x34: {  	[smem:$0x3FB8] =	sst s10  }
0x35: {  	s10 =	sld [smem:$0x3FB7];
	_ =	sdelay $0x3  }
0x36: {  	p1 =	seq.s32 s10, $0x1;
	s10 =	sld [smem:$0x3FB8];
	_ =	sdelay $0x3  }
0x37: {  	[smem:$0x3FB8] =	sst s10  }
0x38: {  	s10 =	sld [smem:$0x3FB9]  }
0x39: {  	_ = 	snop;
	(pc) =	sbr.ind lr, $3  }
0x3a: {  	_ = 	snop  }
0x3b: {  	_ = 	snop  }
0x3c: {  	p2 =	seq.s32 s10, $0x1;
	s10 =	sld [smem:$0x3FB8]  }
0x3d: {  	_ =	shalt  }
0x3e: {  	_ =	shalt  }
0x3f: {  	_ =	shalt  }
0x40: {  	_ =	shalt  }
0x41: {  	_ =	shalt  }
0x42: {  	_ =	shalt  }
0x43: {  	_ =	shalt  }
0x44: {  	_ =	shalt  }
0x45: {  	_ =	shalt  }
0x46: {  	_ =	shalt  }
0x47: {  	_ =	shalt  }
0x48: {  	_ =	shalt  }
0x49: {  	_ =	shalt  }
0x4a: {  	_ =	shalt  }
0x4b: {  	_ =	shalt  }
0x4c: {  	_ =	shalt  }
0x4d: {  	_ =	shalt  }
0x4e: {  	_ =	shalt  }
0x4f: {  	_ =	shalt  }
0x50: {  	_ =	shalt  }
0x51: {  	_ =	shalt  }
0x52: {  	_ =	shalt  }
0x53: {  	_ =	shalt  }
0x54: {  	_ =	shalt  }
0x55: {  	_ =	shalt  }
0x56: {  	_ =	shalt  }
0x57: {  	_ =	shalt  }
0x58: {  	_ =	shalt  }
0x59: {  	_ =	shalt  }
0x5a: {  	_ =	shalt  }
0x5b: {  	_ =	shalt  }
0x5c: {  	_ =	shalt  }
0x5d: {  	_ =	shalt  }
0x5e: {  	_ =	shalt  }
0x5f: {  	_ =	shalt  }
0x60: {  	_ =	shalt  }
0x61: {  	_ =	shalt  }
0x62: {  	_ =	shalt  }
0x63: {  	_ =	shalt  }
0x64: {  	_ =	shalt  }
0x65: {  	_ =	shalt  }
0x66: {  	_ =	shalt  }
0x67: {  	_ =	shalt  }
0x68: {  	_ =	shalt  }
0x69: {  	_ =	shalt  }
0x6a: {  	_ =	shalt  }
0x6b: {  	_ =	shalt  }
0x6c: {  	_ =	shalt  }
0x6d: {  	_ =	shalt  }
0x6e: {  	_ =	shalt  }
0x6f: {  	_ =	shalt  }
0x70: {  	_ =	shalt  }
0x71: {  	_ =	shalt  }
0x72: {  	_ =	shalt  }
0x73: {  	_ =	shalt  }
0x74: {  	_ =	shalt  }
0x75: {  	_ =	shalt  }
0x76: {  	_ =	shalt  }
0x77: {  	_ =	shalt  }
0x78: {  	_ =	shalt  }
0x79: {  	_ =	shalt  }
0x7a: {  	_ =	shalt  }
0x7b: {  	_ =	shalt  }
0x7c: {  	_ =	shalt  }
0x7d: {  	_ =	shalt  }
0x7e: {  	_ =	shalt  }
0x7f: {  	_ =	shalt  }
0x80: {  	_ =	shalt  }
0x81: {  	_ =	shalt  }
0x82: {  	_ =	shalt  }
0x83: {  	_ =	shalt  }
0x84: {  	_ =	shalt  }
0x85: {  	_ =	shalt  }
0x86: {  	_ =	shalt  }
0x87: {  	_ =	shalt  }
.Lfunc_end0:
.L_simem_size_0:
called_computation_lowered:
.L_overlay_start_0:
0x88: {  	s2 =	sld [smem:$0x3FD9]  }
0x89: {  	s3 =	sld [smem:$0x3FFE];
	_ =	sdelay $0x1  }
0x8a: {  	s1 =	srdreg.scid  }
0x8b: {  	s0 =	sand.u32 $0x1, s1  }
0x8c: {  	s17 =	sshll.u32 s0, $0xA;
	s2 =	sadd.s32 s3, s2  }
0x8d: {  	s2 =	sadd.s32 s2, s17  }
0x8e: {  	[smem:$0x3FC4] =	sst s2  }
0x8f: {  	_ = 	snop  }
0x90: {  	s2 =	sld [smem:$0x3FC9];
	(tm) =	ssettm $0x1  }
0x91: {  	s18 =	sld [smem:$0x3FFB];
	_ =	sdelay $0x3  }
0x92: {  	_ =	strace s18  }
0x93: {  	s3 =	sld [smem:$0x3FFC];
	_ =	sdelay $0x3  }
0x94: {  	_ =	strace s3  }
0x95: {  	s3 =	sld [smem:$0x3FFD];
	_ =	sdelay $0x3  }
0x96: {  	_ =	strace s3  }
0x97: {  	_ =	strace $0x8FFFFFFF  }
0x98: {  	s19 =	sld [smem:$0x3FDB];
	_ =	sdelay $0x1  }
0x99: {  	s4 =	simm.s32 $_scs_section_size  }
0x9a: {  	s5 =	simm.s32 $_size__tile_overlayer_lowered;
	s6 =	simm.s32 $_tile_overlayer_lowered  }
0x9b: {  	s22 =	simm.s32 $0x1BFF;
	s21 =	sshll.u32 s6, $0x1;
	s3 =	sadd.s32 s4, s19  }
0x9c: {  	s7 =	simm.s32 $0x0;
	s20 =	sshll.u32 s5, $0x1;
	s5 =	sadd.s32 s21, s3  }
0x9d: {  	[timem:s7], [sflag:s22] =	dma.local [hbm:s5], s20  }
0x9e: {  	_ =	swait.ge [sflag:s22], s20  }
0x9f: {  	s4 =	ssub.s32 $0x0, s20;
	[sflag:s22] =	ssyncset.done $0x0  }
0xa0: {  	[sflag:s22] =	ssyncadd.s32 s4;
	_ =	sdelay $0x1  }
0xa1: {  	s23 =	simm.s32 $0x1B8B  }
0xa2: {  	_ =	swait.ge [sflag:s23], $0x1  }
0xa3: {  	[sflag:s23] =	ssyncset.done $0x0  }
0xa4: {  	s25 =	simm.s32 $0x1B8E;
	s24 =	sld [smem:$0x3FFE];
	[sflag:s23] =	ssyncadd.s32 $0xFFFFFFFF  }
0xa5: {  	s26 =	simm.s32 $execute0_lowered;
	[smem:$0x3FD2] =	sst s25  }
0xa6: {  	s5 =	sshll.u32 s26, $0x1;
	_ =	strace $0x80000046;
	[dreg:$0x1] =	wrdreg $0xFFFFFFFF  }
0xa7: {  	s28 =	simm.s32 $_size_execute0_lowered;
	s3 =	sadd.s32 s3, s5;
	[dreg:$0x0] =	wrdreg $0x0  }
0xa8: {  	s5 =	sshll.u32 s28, $0x1;
	[dreg:$0x2] =	wrdreg s3  }
0xa9: {  	[dreg:$0x3] =	wrdreg s5  }
0xaa: {  	[dreg:$0x4] =	wrdreg $0xC0  }
0xab: {  	_ =	task [dreg:s7], $0x5FFFF  }
0xac: {  	[dreg:$0x1] =	wrdreg $0xFFFFFFFF  }
0xad: {  	[dreg:$0x0] =	wrdreg $0x60  }
0xae: {  	[dreg:$0x2] =	wrdreg s2  }
0xaf: {  	[dreg:$0x3] =	wrdreg s24  }
0xb0: {  	[dreg:$0x4] =	wrdreg $0x9  }
0xb1: {  	_ =	task.clear_ibuf [dreg:s7], $0x5FFFF;
	_ =	strace $0x90000046  }
0xb2: {  	s29 =	simm.s32 $0x9;
	_ =	strace $0x80000048  }
0xb3: {  	_ =	swait.ge [sflag:s29], $0x1  }
0xb4: {  	[sflag:s29] =	ssyncadd.s32 $0xFFFFFFFF  }
0xb5: {  	_ =	strace $0x90000048  }
0xb6: {  	_ =	sfence  }
0xb7: {  	s30 =	sld [smem:$0x0];
	_ =	sdelay $0x2  }
0xb8: {  	s31 =	sshll.u32 s1, $0xD;
	s1 =	sshrl.u32 s1, $0x2  }
0xb9: {  	s3 =	sand.u32 $0x4000, s31;
	s1 =	sadd.s32 s1, s30  }
0xba: {  	s0 =	sor.u32 s3, s0;
	s1 =	sshll.u32 s1, $0x11  }
0xbb: {  	s0 =	sor.u32 s1, s0  }
0xbc: {  	s0 =	sadd.s32 $0x8F2B, s0  }
0xbd: {  	[sflag:s0] =	ssyncadd.remote.s32 $0x1  }
0xbe: {  	_ =	sfence.sel $0xFFFF  }
0xbf: {  	[dreg:$0x0] =	wrdreg $0xFFFFFFFF;
	(pc) =	sbr.abs _section_cstart, $3  }
0xc0: {  	[dreg:$0x1] =	wrdreg $0xFFFFFFFF  }
0xc1: {  	_ =	task.clear_ibuf [dreg:s7], $0x2FFFF;
	_ =	strace $0x9FFFFFFF  }
0xc2: {  	(tm) =	ssettm $0x7FFFFFFF  }
0xc3: {  	_ =	shalt  }
tec
execute0_lowered:
.L_overlay_start_1:
0x0: {  	(tag) =	ssettag $0x1  }
0x1: {  	s7 =	rddreg [dreg:$0x0]  }
0x2: {  	s4 =	rddreg [dreg:$0x1]  }
0x3: {  	s0 =	rddreg [dreg:$0x2]  }
0x4: {  	s2 =	simm.s32 $0x0;
	s3 =	srdreg.scid;
	s1 =	stileid.u32  }
0x5: {  	s11 =	simm.s32 $0x10600;
	s12 =	simm.s32 $0x0;
	[smem:$0x7FF] =	sst s2  }
0x6: {  	s5 =	sand.u32 $0x1, s3;
	s6 =	sshll.u32 s1, $0x15;
	s9 =	sshll.u32 s1, $0xA  }
0x7: {  	v0 =	vimm.s32 $0xEDCBA987;
	s30 =	sshll.u32 s1, $0x12;
	_ =	strace $0x80000047;
	s3 =	sshll.u32 s5, $0x9  }
0x8: {  	v1 =	vimm.s32 $0x65432100;
	v0 =	vunpack.c.l.s4.s8 v0;
	s8 =	ssub.s32 $0x2, s5;
	s31 =	sshll.u32 s5, $0x6;
	s6 =	sor.u32 s3, s6  }
.Ltmp0:
0x9: {  	v1 =	vunpack.c.l.s4.s8 v1;
	s10 =	sshrl.u32 s8, $0x1;
	s9 =	sor.u32 s3, s9;
	(pc) =	sbr.rel .LBB2_1-.Ltmp0, $4  }
0xa: {  	v2 =	vunpack.c.0.s8.s32 v0;
	s6 =	sshrl.u32 s6, $0x3;
	s8 =	ssub.s32 s8, s10;
	s29 =	sshrl.u32 s9, $0x3  }
0xb: {  	v3 =	vunpack.c.0.s8.s32 v1;
	s9 =	simm.s32 $0x10400;
	s10 =	simm.s32 $0x3;
	s3 =	sadd.s32 s7, s6  }
0xc: {  	v0 =	vlaneseq.u32;
	s4 =	sadd.s32 s4, s29;
	s6 =	smax.u32 s8, $0x1;
	s7 =	sadd.s32 s30, s7;
	v4 =	vand.u32 $0xF, v2  }
0xd: {  	v1 =	vimm.s32 $0xF;
	s8 =	simm.s32 $0x1;
	v2 =	vmul.u32 $0x10, v0;
	s5 =	sadd.s32 $0x800, s4;
	s7 =	sadd.s32 s31, s7;
	v3 =	vcombine.low v3, v4  }
.LBB2_17:
0xe: {  	_ =	swait.ge [sflag:s8], $0x8000  }
0xf: {  	[sflag:s8] =	ssyncset.done $0x0  }
0x10: {  	[sflag:s8] =	ssyncadd.s32 $0xFFFF8000  }
0x11: {  	[hbm4b:s4+s2] =	stream.linear.scatter [tilespmem:s9], [sflag:$0x3], $0x200, $0x38;
	[tilespmem:$0x10800] =	vst v63  }
0x12: {  	s12 =	sadd.s32 $0x1, s12;
	_ =	swait.ge [sflag:s10], $0x200  }
0x13: {  	p0 =	sne.s32 s12, s6;
	[sflag:s10] =	ssyncset.done $0x0  }
.Ltmp1:
0x14: {  	[sflag:s10] =	ssyncadd.s32 $0xFFFFFE00;
	(pc) =	sbr.rel @!p0 .LBB2_18-.Ltmp1, $4  }
0x15: {  	[hbm4b:s5+s2] =	stream.linear.scatter [tilespmem:s11], [sflag:$0x3], $0x200, $0x38;
	[tilespmem:$0x10800] =	vst v63  }
0x16: {  	_ =	swait.ge [sflag:s10], $0x200  }
0x17: {  	[sflag:s10] =	ssyncset.done $0x0  }
0x18: {  	[sflag:s10] =	ssyncadd.s32 $0xFFFFFE00  }
.LBB2_1:
0x19: {  	s14 =	simm.s32 $0x0;
	s15 =	simm.s32 $0x0  }
.LBB2_2:
0x1a: {  	p0 =	sne.s32 s15, $0x7F80  }
.Ltmp2:
0x1b: {  	_ = 	snop;
	(pc) =	sbr.rel @p0 .LBB2_2-.Ltmp2, $4  }
0x1c: {  	_ = 	snop  }
0x1d: {  	s16 =	sadd.s32 s15, s3;
	s13 =	simm.s32 $0x0  }
0x1e: {  	[tilespmem:s14], [sflag:$0x1] =	stream.linear.gather [hbm4b:s16+s13], $0x80, $0x38;
	[tilespmem:$0x10800] =	vst v63  }
0x1f: {  	s15 =	sadd.s32 $0x80, s15;
	s14 =	sadd.s32 $0x100, s14  }
.Ltmp3:
0x20: {  	(pc) =	sbr.rel .LBB2_4-.Ltmp3, $2  }
0x21: {  	_ =	sdelay $0x2  }
0x22: {  	v4 =	vimm.s32 $0x0;
	v6 =	vimm.f32 $-1.000000000e+00;
	s14 =	simm.s32 $0x1;
	p0 =	por $0x1, $0x1;
	p1 =	por $0x0, $0x0;
	v5 =	vimm.f32 $-1.000000000e+00  }
.LBB2_16:
0x23: {  	p3 =	sne.s32 s15, $0x20  }
.Ltmp4:
0x24: {  	p2 =	sne.s32 s17, $0x7;
	(pc) =	sbr.rel @!p3 .LBB2_17-.Ltmp4, $4  }
0x25: {  	s13 =	sshll.u32 @!p2 s13, $0x4  }
0x26: {  	s13 =	sand.u32 @!p2 $0x180, s13  }
0x27: {  	s14 =	sadd.s32 $0x1, s14;
	[tilespmem:s13+$0x10400] =	vst @!p2 v5  }
0x28: {  	p0 =	por !p0, !p0;
	p1 =	por !p1, !p1;
	[tilespmem:s13+$0x10600] =	vst @!p2 v4;
	s13 =	smov.u32 s15  }
.LBB2_4:
0x29: {  	s15 =	smin.u32 s14, $0x1F  }
0x2a: {  	s19 =	simm.s32 $0x1;
	s22 =	simm.s32 $0x0;
	s16 =	sand.u32 $0x7, s15  }
0x2b: {  	s15 =	sshll.u32 s15, $0x1;
	s19 =	simm.s32 @!p1 $0x0;
	s16 =	sshll.u32 s16, $0xF  }
0x2c: {  	s15 =	sand.u32 $0x30, s15;
	s30 =	sshll.u32 s19, $0x7;
	s16 =	sadd.s32 s16, s7  }
0x2d: {  	s21 =	sor.u32 $0x400, s30;
	s17 =	sadd.s32 s15, s16;
	s16 =	sand.u32 $0x1, s13  }
0x2e: {  	s15 =	simm.s32 $0x1;
	v7 =	vmov s21;
	s21 =	simm.s32 $0x0;
	s20 =	sadd.s32 $0x1, s16  }
0x2f: {  	s15 =	simm.s32 @!p0 $0x0;
	s31 =	sxor.u32 $0x1, s16;
	_ =	swait.ge [sflag:s20], $0x8000  }
0x30: {  	s18 =	sshll.u32 s15, $0x7;
	s15 =	sadd.s32 $0x1, s13;
	[sflag:s20] =	ssyncset.done $0x0  }
0x31: {  	v8 =	vimm.f32 $0.0e+00;
	s19 =	sadd.s32 $0x1, s31;
	[sflag:s20] =	ssyncadd.s32 $0xFFFF8000;
	s20 =	simm.s32 $0x0  }
.LBB2_5:
0x32: {  	s23 =	sshra.s32 s22, $0x2  }
0x33: {  	v9 =	vld.idx.msk [tilespmem:v7+s23+$0xFFFFFC00 ss:$0x1], $0xffff  }
0x34: {  	v10 =	vld.idx.msk [tilespmem:v7+s23+$0xFFFFFC10 ss:$0x1], $0xffff  }
0x35: {  	v11 =	vld.idx.msk [tilespmem:v7+s23+$0xFFFFFC20 ss:$0x1], $0xffff  }
0x36: {  	v12 =	vld.idx.msk [tilespmem:v7+s23+$0xFFFFFC30 ss:$0x1], $0xffff  }
0x37: {  	v13 =	vld.idx.msk [tilespmem:v7+s23+$0xFFFFFC40 ss:$0x1], $0xffff  }
0x38: {  	v14 =	vld.idx.msk [tilespmem:v7+s23+$0xFFFFFC50 ss:$0x1], $0xffff  }
0x39: {  	v15 =	vld.idx.msk [tilespmem:v7+s23+$0xFFFFFC60 ss:$0x1], $0xffff  }
0x3a: {  	v16 =	vld.idx.msk [tilespmem:v7+s23+$0xFFFFFC70 ss:$0x1], $0xffff  }
0x3b: {  	v17 =	vld.idx.msk [tilespmem:v7+s23+$0xFFFFFD00 ss:$0x1], $0xffff  }
0x3c: {  	v18 =	vld.idx.msk [tilespmem:v7+s23+$0xFFFFFD10 ss:$0x1], $0xffff  }
0x3d: {  	v19 =	vld.idx.msk [tilespmem:v7+s23+$0xFFFFFD20 ss:$0x1], $0xffff  }
0x3e: {  	v20 =	vld.idx.msk [tilespmem:v7+s23+$0xFFFFFD30 ss:$0x1], $0xffff  }
0x3f: {  	v21 =	vld.idx.msk [tilespmem:v7+s23+$0xFFFFFD40 ss:$0x1], $0xffff  }
0x40: {  	v22 =	vld.idx.msk [tilespmem:v7+s23+$0xFFFFFD50 ss:$0x1], $0xffff  }
0x41: {  	v23 =	vld.idx.msk [tilespmem:v7+s23+$0xFFFFFD60 ss:$0x1], $0xffff  }
0x42: {  	v24 =	vld.idx.msk [tilespmem:v7+s23+$0xFFFFFD70 ss:$0x1], $0xffff  }
0x43: {  	v25 =	vld.idx.msk [tilespmem:v7+s23+$0xFFFFFE00 ss:$0x1], $0xffff  }
0x44: {  	v26 =	vld.idx.msk [tilespmem:v7+s23+$0xFFFFFE10 ss:$0x1], $0xffff  }
0x45: {  	v27 =	vld.idx.msk [tilespmem:v7+s23+$0xFFFFFE20 ss:$0x1], $0xffff  }
0x46: {  	v28 =	vld.idx.msk [tilespmem:v7+s23+$0xFFFFFE30 ss:$0x1], $0xffff  }
0x47: {  	v29 =	vld.idx.msk [tilespmem:v7+s23+$0xFFFFFE40 ss:$0x1], $0xffff  }
0x48: {  	v30 =	vld.idx.msk [tilespmem:v7+s23+$0xFFFFFE50 ss:$0x1], $0xffff  }
0x49: {  	v31 =	vld.idx.msk [tilespmem:v7+s23+$0xFFFFFE60 ss:$0x1], $0xffff  }
0x4a: {  	v32 =	vld.idx.msk [tilespmem:v7+s23+$0xFFFFFE70 ss:$0x1], $0xffff  }
0x4b: {  	v33 =	vld.idx.msk [tilespmem:v7+s23+$0xFFFFFF00 ss:$0x1], $0xffff  }
0x4c: {  	v34 =	vld.idx.msk [tilespmem:v7+s23+$0xFFFFFF10 ss:$0x1], $0xffff  }
0x4d: {  	v35 =	vld.idx.msk [tilespmem:v7+s23+$0xFFFFFF20 ss:$0x1], $0xffff  }
0x4e: {  	v36 =	vld.idx.msk [tilespmem:v7+s23+$0xFFFFFF30 ss:$0x1], $0xffff  }
0x4f: {  	v37 =	vld.idx.msk [tilespmem:v7+s23+$0xFFFFFF40 ss:$0x1], $0xffff  }
0x50: {  	v38 =	vld.idx.msk [tilespmem:v7+s23+$0xFFFFFF50 ss:$0x1], $0xffff  }
0x51: {  	v39 =	vld.idx.msk [tilespmem:v7+s23+$0xFFFFFF60 ss:$0x1], $0xffff  }
0x52: {  	v40 =	vld.idx.msk [tilespmem:v7+s23+$0xFFFFFF70 ss:$0x1], $0xffff  }
0x53: {  	v41 =	vld.idx.msk [tilespmem:v7+s23+$0x0 ss:$0x1], $0xffff  }
0x54: {  	v42 =	vld.idx.msk [tilespmem:v7+s23+$0x10 ss:$0x1], $0xffff  }
0x55: {  	v43 =	vld.idx.msk [tilespmem:v7+s23+$0x20 ss:$0x1], $0xffff  }
0x56: {  	v44 =	vld.idx.msk [tilespmem:v7+s23+$0x30 ss:$0x1], $0xffff  }
0x57: {  	v45 =	vld.idx.msk [tilespmem:v7+s23+$0x40 ss:$0x1], $0xffff  }
0x58: {  	v46 =	vld.idx.msk [tilespmem:v7+s23+$0x50 ss:$0x1], $0xffff  }
0x59: {  	v47 =	vld.idx.msk [tilespmem:v7+s23+$0x60 ss:$0x1], $0xffff  }
0x5a: {  	v48 =	vld.idx.msk [tilespmem:v7+s23+$0x70 ss:$0x1], $0xffff  }
0x5b: {  	v49 =	vld.idx.msk [tilespmem:v7+s23+$0x100 ss:$0x1], $0xffff  }
0x5c: {  	v50 =	vld.idx.msk [tilespmem:v7+s23+$0x110 ss:$0x1], $0xffff  }
0x5d: {  	v51 =	vld.idx.msk [tilespmem:v7+s23+$0x120 ss:$0x1], $0xffff  }
0x5e: {  	v52 =	vld.idx.msk [tilespmem:v7+s23+$0x130 ss:$0x1], $0xffff  }
0x5f: {  	v53 =	vld.idx.msk [tilespmem:v7+s23+$0x140 ss:$0x1], $0xffff  }
0x60: {  	v54 =	vld.idx.msk [tilespmem:v7+s23+$0x150 ss:$0x1], $0xffff  }
0x61: {  	v55 =	vld.idx.msk [tilespmem:v7+s23+$0x160 ss:$0x1], $0xffff  }
0x62: {  	v56 =	vld.idx.msk [tilespmem:v7+s23+$0x170 ss:$0x1], $0xffff  }
0x63: {  	v57 =	vld.idx.msk [tilespmem:v7+s23+$0x200 ss:$0x1], $0xffff  }
0x64: {  	v58 =	vld.idx.msk [tilespmem:v7+s23+$0x210 ss:$0x1], $0xffff  }
0x65: {  	v59 =	vld.idx.msk [tilespmem:v7+s23+$0x220 ss:$0x1], $0xffff  }
0x66: {  	v9 =	vmax.f32 v9, v10;
	v10 =	vmax.f32 v11, v12;
	v11 =	vmax.f32 v13, v14;
	v12 =	vld.idx.msk [tilespmem:v7+s23+$0x230 ss:$0x1], $0xffff  }
0x67: {  	v61 =	vmax.f32 v15, v16;
	v62 =	vmax.f32 v17, v18;
	v63 =	vmax.f32 v19, v20;
	v16 =	vld.idx.msk [tilespmem:v7+s23+$0x240 ss:$0x1], $0xffff  }
0x68: {  	v22 =	vmax.f32 v21, v22;
	v60 =	vmax.f32 v23, v24;
	v15 =	vld.idx.msk [tilespmem:v7+s23+$0x260 ss:$0x1], $0xffff;
	v28 =	vmax.f32 v27, v28  }
0x69: {  	v14 =	vld.idx.msk [tilespmem:v7+s23+$0x270 ss:$0x1], $0xffff;
	v30 =	vmax.f32 v29, v30;
	v32 =	vmax.f32 v31, v32;
	v34 =	vmax.f32 v33, v34  }
0x6a: {  	v20 =	vld.idx.msk [tilespmem:v7+s23+$0x300 ss:$0x1], $0xffff;
	v36 =	vmax.f32 v35, v36;
	v38 =	vmax.f32 v37, v38;
	v9 =	vmax.f32 v9, v10  }
0x6b: {  	v10 =	vld.idx.msk [tilespmem:v7+s23+$0x250 ss:$0x1], $0xffff;
	v11 =	vmax.f32 v11, v61;
	v61 =	vmax.f32 v62, v63;
	v62 =	vmax.f32 v22, v60  }
0x6c: {  	v63 =	vmax.f32 v25, v26;
	v60 =	vld.idx.msk [tilespmem:v7+s23+$0x310 ss:$0x1], $0xffff;
	v36 =	vmax.f32 v34, v36;
	v9 =	vmax.f32 v9, v11  }
0x6d: {  	v11 =	vmax.f32 v61, v62;
	v61 =	vmax.f32 v39, v40;
	v13 =	vmax.f32 v63, v28;
	v63 =	vld.idx.msk [tilespmem:v7+s23+$0x320 ss:$0x1], $0xffff  }
0x6e: {  	v62 =	vmax.f32 v30, v32;
	v39 =	vmax.f32 v41, v42;
	v40 =	vmax.f32 v43, v44;
	v42 =	vld.idx.msk [tilespmem:v7+s23+$0x340 ss:$0x1], $0xffff  }
0x6f: {  	v41 =	vmax.f32 v45, v46;
	v43 =	vmax.f32 v47, v48;
	v44 =	vmax.f32 v49, v50;
	v46 =	vld.idx.msk [tilespmem:v7+s23+$0x350 ss:$0x1], $0xffff  }
0x70: {  	v45 =	vmax.f32 v51, v52;
	v47 =	vmax.f32 v53, v54;
	v48 =	vmax.f32 v55, v56;
	v49 =	vld.idx.msk [tilespmem:v7+s23+$0x360 ss:$0x1], $0xffff  }
0x71: {  	v52 =	vld.idx.msk [tilespmem:v7+s23+$0x370 ss:$0x1], $0xffff;
	v37 =	vmax.f32 v38, v61;
	v13 =	vmax.f32 v13, v62;
	v22 =	vmax.f32 v39, v40  }
0x72: {  	v38 =	vld.idx.msk [tilespmem:v7+s23+$0x330 ss:$0x1], $0xffff;
	v25 =	vmax.f32 v41, v43;
	v50 =	vmax.f32 v44, v45;
	v51 =	vmax.f32 v47, v48;
	s23 =	sadd.s32 s23, s18  }
0x73: {  	v9 =	vmax.f32 v9, v11;
	v19 =	vmax.f32 v36, v37;
	v53 =	vmax.f32 v22, v25;
	[tilespmem:s23], [sflag:s19] =	stream.linear.gather [hbm4b:s17+s2], $0x80, $0x38;
	[tilespmem:$0x10800] =	vst v63  }
0x74: {  	v54 =	vmax.f32 v50, v51;
	(xrf0) =	vmax.scan.msk.f32 $0xffff, v9;
	v9 =	vmax.f32 v57, v58;
	v11 =	vmax.f32 v13, v19  }
0x75: {  	s24 =	sadd.s32 $0x80, s17;
	s25 =	sadd.s32 $0x100, s23;
	v55 =	vmax.f32 v53, v54;
	v12 =	vmax.f32 v59, v12;
	v14 =	vmax.f32 v15, v14  }
0x76: {  	v10 =	vmax.f32 v16, v10;
	v56 =	vmax.f32 v20, v60;
	[tilespmem:s25], [sflag:s19] =	stream.linear.gather [hbm4b:s24+s2], $0x80, $0x38;
	v9 =	vmax.f32 v9, v12;
	[tilespmem:$0x10800] =	vst v63  }
0x77: {  	s28 =	sadd.s32 $0x100, s17;
	s29 =	sadd.s32 $0x200, s23;
	(xrf0) =	vmax.scan.msk.f32 $0xffff, v11;
	v11 =	vmax.f32 v42, v46;
	v58 =	vmax.f32 v49, v52;
	v57 =	vmax.f32 v63, v38  }
0x78: {  	v10 =	vmax.f32 v10, v14;
	v11 =	vmax.f32 v11, v58;
	[tilespmem:s29], [sflag:s19] =	stream.linear.gather [hbm4b:s28+s2], $0x80, $0x38;
	v59 =	vmax.f32 v56, v57;
	[tilespmem:$0x10800] =	vst v63  }
0x79: {  	s30 =	sadd.s32 $0x180, s17;
	s31 =	sadd.s32 $0x300, s23;
	(xrf0) =	vmax.scan.msk.f32 $0xffff, v55;
	v9 =	vmax.f32 v9, v10;
	v10 =	vmax.f32 v59, v11  }
0x7a: {  	[tilespmem:s31], [sflag:s19] =	stream.linear.gather [hbm4b:s30+s2], $0x80, $0x38;
	v9 =	vmax.f32 v9, v10;
	[tilespmem:$0x10800] =	vst v63  }
0x7b: {  	s26 =	sadd.s32 $0x400, s23;
	s25 =	sadd.s32 $0x200, s17;
	(xrf0) =	vmax.scan.msk.f32 $0xffff, v9  }
0x7c: {  	[tilespmem:s26], [sflag:s19] =	stream.linear.gather [hbm4b:s25+s2], $0x80, $0x38;
	[tilespmem:$0x10800] =	vst v63  }
0x7d: {  	s28 =	sadd.s32 $0x280, s17;
	s29 =	sadd.s32 $0x500, s23;
	s26 =	sand.u32 $0xC, s21  }
0x7e: {  	[tilespmem:s29], [sflag:s19] =	stream.linear.gather [hbm4b:s28+s2], $0x80, $0x38;
	[tilespmem:$0x10800] =	vst v63  }
0x7f: {  	p2 =	seq.s32 s22, $0x3E000;
	v61 =	vmov s26;
	v9, _, _ =	vpop (xrf0);
	s28 =	sor.u32 $0x1, s26  }
0x80: {  	s30 =	sadd.s32 $0x300, s17;
	s31 =	sadd.s32 $0x600, s23;
	vm0 =	veq.s32 v61, v0;
	s29 =	sor.u32 $0x2, s26;
	v10, _, _ =	vpop (xrf0);
	v9 =	vperm.xlane v9, v1;
	v62 =	vmov s28  }
0x81: {  	v63 =	vmov s29;
	[tilespmem:s31], [sflag:s19] =	stream.linear.gather [hbm4b:s30+s2], $0x80, $0x38;
	v11, _, _ =	vpop (xrf0);
	v10 =	vperm.xlane v10, v1;
	vm13 =	veq.s32 v62, v0;
	[tilespmem:$0x10800] =	vst v63  }
.Ltmp5:
0x82: {  	s24 =	sor.u32 $0x3, s26;
	vm14 =	veq.s32 v63, v0;
	v11 =	vperm.xlane v11, v1;
	v8 =	vsel vm0, v9, v8;
	v60, _, _ =	vpop (xrf0);
	(pc) =	sbr.rel @!p2 .LBB2_5-.Ltmp5, $4  }
0x83: {  	s23 =	sadd.s32 $0x700, s23;
	s30 =	sadd.s32 $0x380, s17;
	s31 =	sand.u32 $0xE00, s20;
	v9 =	vmov s24;
	v8 =	vsel vm13, v10, v8;
	v12 =	vperm.xlane v60, v1  }
0x84: {  	[tilespmem:s23], [sflag:s19] =	stream.linear.gather [hbm4b:s30+s2], $0x80, $0x38;
	vm15 =	veq.s32 v9, v0;
	v8 =	vsel vm14, v11, v8;
	[tilespmem:$0x10800] =	vst v63  }
0x85: {  	s22 =	sadd.s32 $0x2000, s22;
	s23 =	sshrl.u32 s31, $0x2;
	v8 =	vsel vm15, v12, v8  }
0x86: {  	s21 =	sadd.s32 $0x4, s21;
	s17 =	sadd.s32 $0x400, s17;
	s20 =	sadd.s32 $0x80, s20;
	[tilespmem:s23+$0x10000] =	vst v8  }
.Ltmp6:
0x87: {  	(pc) =	sbr.rel .LBB2_7-.Ltmp6, $4  }
0x88: {  	s17 =	sand.u32 $0x7, s13  }
0x89: {  	s16 =	sshll.u32 s16, $0x7;
	p2 =	seq.s32 s17, $0x0  }
0x8a: {  	s18 =	sshll.u32 s17, $0xF;
	v7 =	vmov s16;
	v5 =	vpsel p2, $0xBF800000, v5  }
0x8b: {  	s16 =	simm.s32 $0x0;
	v4 =	vpsel p2, $0x0, v4;
	v6 =	vpsel p2, $0xBF800000, v6;
	v8 =	vmov s18  }
.LBB2_15:
0x8c: {  	s16 =	sadd.s32 $0x1, s16  }
0x8d: {  	p2 =	sne.s32 s16, $0x8  }
.Ltmp7:
0x8e: {  	_ = 	snop;
	(pc) =	sbr.rel @!p2 .LBB2_16-.Ltmp7, $1  }
0x8f: {  	_ =	sdelay $0x3  }
.LBB2_7:
0x90: {  	s18 =	sshll.u32 s16, $0x7  }
0x91: {  	s18 =	sand.u32 $0x3FFFFF80, s18  }
0x92: {  	v9 =	vld [tilespmem:s18+$0x10000];
	_ =	sdelay $0x4  }
0x93: {  	vm0 =	vge.f32 v9, v6  }
0x94: {  	v10 =	vmpcnt.ones.xlane vm0;
	_ =	sdelay $0x1  }
0x95: {  	(v2sf) =	vpush v10, $0x0;
	_ =	sdelay $0xe  }
0x96: {  	s31 =	spop (v2sf)  }
0x97: {  	p2 =	slt.s32 s31, $0x1  }
.Ltmp8:
0x98: {  	_ = 	snop;
	(pc) =	sbr.rel @p2 .LBB2_15-.Ltmp8, $1  }
0x99: {  	_ =	sdelay $0x3  }
.Ltmp9:
0x9a: {  	(pc) =	sbr.rel .LBB2_9-.Ltmp9, $2  }
0x9b: {  	_ =	sdelay $0x2  }
0x9c: {  	s18 =	sshll.u32 s16, $0xC  }
.LBB2_14:
0x9d: {  	vm1 =	vne.s32 v10, v0;
	vm2 =	vge.f32 v9, v6  }
0x9e: {  	vm1 =	vmand vm1, vm2  }
0x9f: {  	vm0 =	vmand vm0, vm1  }
0xa0: {  	v10 =	vmpcnt.ones.xlane vm0;
	_ =	sdelay $0x1  }
0xa1: {  	(v2sf) =	vpush v10, $0x0;
	_ =	sdelay $0xe  }
0xa2: {  	s19 =	spop (v2sf)  }
0xa3: {  	p2 =	sgt.s32 s19, $0x0  }
.Ltmp10:
0xa4: {  	_ = 	snop;
	(pc) =	sbr.rel @!p2 .LBB2_15-.Ltmp10, $1  }
0xa5: {  	_ =	sdelay $0x3  }
.LBB2_9:
0xa6: {  	v10 =	vmctz.xlane vm0;
	_ =	sdelay $0x1  }
0xa7: {  	(v2sf) =	vpush v10, $0x0;
	_ =	sdelay $0xe  }
0xa8: {  	s19 =	spop (v2sf)  }
0xa9: {  	s19 =	sshll.u32 s19, $0x8  }
0xaa: {  	s19 =	sadd.s32 s18, s19  }
0xab: {  	s20 =	sshll.u32 s19, $0x3  }
0xac: {  	s20 =	sshra.s32 s20, $0x2  }
0xad: {  	v11 =	vld.idx.msk [tilespmem:v7+s20+$0x0 ss:$0x1], $0xffff  }
0xae: {  	v12 =	vld.idx.msk [tilespmem:v7+s20+$0x10 ss:$0x1], $0xffff  }
0xaf: {  	v13 =	vld.idx.msk [tilespmem:v7+s20+$0x20 ss:$0x1], $0xffff  }
0xb0: {  	v14 =	vld.idx.msk [tilespmem:v7+s20+$0x30 ss:$0x1], $0xffff  }
0xb1: {  	v15 =	vld.idx.msk [tilespmem:v7+s20+$0x40 ss:$0x1], $0xffff  }
0xb2: {  	v16 =	vld.idx.msk [tilespmem:v7+s20+$0x50 ss:$0x1], $0xffff  }
0xb3: {  	v17 =	vld.idx.msk [tilespmem:v7+s20+$0x60 ss:$0x1], $0xffff  }
0xb4: {  	v18 =	vld.idx.msk [tilespmem:v7+s20+$0x70 ss:$0x1], $0xffff  }
0xb5: {  	v19 =	vld.idx.msk [tilespmem:v7+s20+$0x100 ss:$0x1], $0xffff  }
0xb6: {  	v20 =	vld.idx.msk [tilespmem:v7+s20+$0x110 ss:$0x1], $0xffff  }
0xb7: {  	v21 =	vld.idx.msk [tilespmem:v7+s20+$0x120 ss:$0x1], $0xffff  }
0xb8: {  	v22 =	vld.idx.msk [tilespmem:v7+s20+$0x130 ss:$0x1], $0xffff  }
0xb9: {  	v23 =	vld.idx.msk [tilespmem:v7+s20+$0x140 ss:$0x1], $0xffff  }
0xba: {  	v24 =	vld.idx.msk [tilespmem:v7+s20+$0x150 ss:$0x1], $0xffff  }
0xbb: {  	v25 =	vld.idx.msk [tilespmem:v7+s20+$0x160 ss:$0x1], $0xffff  }
0xbc: {  	v26 =	vld.idx.msk [tilespmem:v7+s20+$0x170 ss:$0x1], $0xffff;
	_ =	sdelay $0x2  }
0xbd: {  	v11 =	vmax.f32 v11, v12;
	v52 =	vmax.f32 v13, v14;
	v53 =	vmax.f32 v15, v16  }
0xbe: {  	v54 =	vmax.f32 v17, v18;
	v55 =	vmax.f32 v19, v20;
	v56 =	vmax.f32 v21, v22  }
0xbf: {  	v57 =	vmax.f32 v23, v24;
	v58 =	vmax.f32 v25, v26;
	v11 =	vmax.f32 v11, v52  }
0xc0: {  	v59 =	vmax.f32 v53, v54;
	v60 =	vmax.f32 v55, v56;
	v61 =	vmax.f32 v57, v58  }
0xc1: {  	v11 =	vmax.f32 v11, v59;
	v62 =	vmax.f32 v60, v61  }
0xc2: {  	v11 =	vmax.f32 v11, v62  }
0xc3: {  	vm1 =	vge.f32 v11, v6  }
0xc4: {  	v63 =	vmpcnt.ones.xlane vm1;
	_ =	sdelay $0x1  }
0xc5: {  	(v2sf) =	vpush v63, $0x0;
	_ =	sdelay $0xe  }
0xc6: {  	s31 =	spop (v2sf)  }
0xc7: {  	p2 =	slt.s32 s31, $0x1  }
.Ltmp11:
0xc8: {  	_ = 	snop;
	(pc) =	sbr.rel @p2 .LBB2_14-.Ltmp11, $1  }
0xc9: {  	_ =	sdelay $0x3  }
.Ltmp12:
0xca: {  	(pc) =	sbr.rel .LBB2_11-.Ltmp12, $2  }
0xcb: {  	_ =	sdelay $0x2  }
0xcc: {  	v12 =	vor.u32 s19, v2  }
.LBB2_13:
0xcd: {  	vm2 =	vne.s32 v13, v0;
	vm3 =	vge.f32 v11, v6  }
0xce: {  	vm2 =	vmand vm2, vm3  }
0xcf: {  	vm1 =	vmand vm1, vm2  }
0xd0: {  	v13 =	vmpcnt.ones.xlane vm1;
	_ =	sdelay $0x1  }
0xd1: {  	(v2sf) =	vpush v13, $0x0;
	_ =	sdelay $0xe  }
0xd2: {  	s19 =	spop (v2sf)  }
0xd3: {  	p2 =	sgt.s32 s19, $0x0  }
.Ltmp13:
0xd4: {  	_ = 	snop;
	(pc) =	sbr.rel @!p2 .LBB2_14-.Ltmp13, $1  }
0xd5: {  	_ =	sdelay $0x3  }
.LBB2_11:
0xd6: {  	v13 =	vmctz.xlane vm1;
	_ =	sdelay $0x1  }
0xd7: {  	v15 =	vadd.s32 v13, v12  }
0xd8: {  	v14 =	vand.u32 $0x7F, v15;
	v16 =	vshll.u32 v15, $0x1  }
0xd9: {  	v16 =	vand.u32 $0xFFFFFF00, v16;
	v14 =	vor.u32 v7, v14  }
0xda: {  	v14 =	vor.u32 v16, v14;
	_ =	sdelay $0x4  }
0xdb: {  	v14 =	vld.idx.msk [tilespmem:v14+s2+$0x0], $0xffff;
	_ =	sdelay $0x2  }
0xdc: {  	v16 =	vperm.xlane v4, v1  }
0xdd: {  	v15 =	vadd.s32 v8, v15  }
0xde: {  	vm3 =	vlt.s32 v15, v16;
	vm2 =	veq.f32 v14, v6  }
0xdf: {  	vm4 =	vgt.f32 v14, v6;
	vm2 =	vmand vm2, vm3  }
0xe0: {  	vm2 =	vmor vm4, vm2  }
0xe1: {  	v16 =	vmpcnt.ones.xlane vm2;
	_ =	sdelay $0x1  }
0xe2: {  	(v2sf) =	vpush v16, $0x0;
	_ =	sdelay $0xe  }
0xe3: {  	s19 =	spop (v2sf)  }
0xe4: {  	p2 =	slt.s32 s19, $0x1  }
.Ltmp14:
0xe5: {  	_ = 	snop;
	(pc) =	sbr.rel @p2 .LBB2_13-.Ltmp14, $1  }
0xe6: {  	_ =	sdelay $0x3  }
.LBB2_12:
0xe7: {  	v16 =	vmctz.xlane vm2;
	_ =	sdelay $0x1  }
0xe8: {  	v6 =	vperm.xlane v14, v16;
	v17 =	vperm.xlane v15, v16;
	_ =	sdelay $0x1  }
0xe9: {  	vm3 =	veq.f32 v5, v6;
	vm4 =	vlt.s32 v4, v17  }
0xea: {  	vm5 =	vgt.f32 v5, v6;
	vm3 =	vmand vm3, vm4  }
0xeb: {  	vm3 =	vmor vm5, vm3  }
0xec: {  	v18 =	vmpcnt.ones.xlane vm3  }
0xed: {  	v19 =	vperm.xlane v5, v3;
	v20 =	vperm.xlane v4, v3  }
0xee: {  	vm3 =	veq.s32 v18, v0  }
0xef: {  	vm12 =	vgt.s32 v18, v0;
	v6 =	vsel vm3, v6, v19;
	v17 =	vsel vm3, v17, v20  }
0xf0: {  	v5 =	vsel vm12, v5, v6;
	v4 =	vsel vm12, v4, v17  }
0xf1: {  	v6 =	vperm.xlane v5, v1;
	v17 =	vperm.xlane v4, v1;
	_ =	sdelay $0x1  }
0xf2: {  	vm3 =	veq.f32 v14, v6;
	vm13 =	vlt.s32 v15, v17  }
0xf3: {  	vm14 =	vgt.f32 v14, v6;
	vm3 =	vmand vm3, vm13  }
0xf4: {  	vm15 =	vne.s32 v16, v0;
	vm3 =	vmor vm14, vm3  }
0xf5: {  	vm3 =	vmand vm15, vm3  }
0xf6: {  	vm2 =	vmand vm2, vm3  }
0xf7: {  	v16 =	vmpcnt.ones.xlane vm2;
	_ =	sdelay $0x1  }
0xf8: {  	(v2sf) =	vpush v16, $0x0;
	_ =	sdelay $0xe  }
0xf9: {  	s19 =	spop (v2sf)  }
0xfa: {  	p2 =	sgt.s32 s19, $0x0  }
.Ltmp15:
0xfb: {  	_ = 	snop;
	(pc) =	sbr.rel @p2 .LBB2_12-.Ltmp15, $1  }
0xfc: {  	_ =	sdelay $0x3  }
.Ltmp16:
0xfd: {  	_ = 	snop;
	(pc) =	sbr.rel .LBB2_13-.Ltmp16, $1  }
0xfe: {  	_ =	sdelay $0x3  }
.LBB2_18:
0xff: {  	_ =	sfence.sel $0x180000  }
0x100: {  	[bflag:$0x0] =	sbarrier.arrive $0xFFFF  }
0x101: {  	p0 =	sne.s32 s1, $0x0;
	_ =	strace $0x90000047  }
0x102: {  	s0 =	sadd.s32 @!p0 $0x100000, s0;
	[bflag:$0x2] =	sbarrier.arrive $0xFFFF  }
0x103: {  	[sflag:s0] =	ssyncadd.tile.s32 @!p0 $0x1;
	_ =	shalt  }
.Lfunc_end2:
_tile_overlayer_lowered:
.L_overlay_start_2:
0x104: {  	(tag) =	ssettag $0x2  }
0x105: {  	s0 =	rddreg [dreg:$0x0];
	s2 =	stileid.u32  }
0x106: {  	s1 =	rddreg [dreg:$0x1];
	p0 =	sne.s32 s2, $0x0  }
0x107: {  	s3 =	rddreg [dreg:$0x2];
	[bflag:$0x3] =	sbarrier.arrive $0xFFFF;
	s2 =	simm.s32 @!p0 $0x1C03  }
0x108: {  	[timem:s3], [sflag:s2] =	dma.local @!p0 [hbm:s0], s1  }
0x109: {  	s0 =	simm.s32 @!p0 $0x3  }
0x10a: {  	_ =	swait.ge @!p0 [sflag:s0], s1  }
0x10b: {  	s1 =	ssub.s32 @!p0 $0x0, s1;
	[sflag:s0] =	ssyncset.done @!p0 $0x0  }
0x10c: {  	[sflag:s0] =	ssyncadd.s32 @!p0 s1  }
0x10d: {  	[bflag:$0x3] =	sbarrier.arrive $0xFFFF  }
0x10e: {  	_ =	shalt  }

</sc_bundles>
